<compile_context>
chip_gen: v7x
topology: tpu7x:2x2x1
jax: 0.10.2.dev20260603
libtpu: 0.0.44.dev20260713+nightly
codegen_flags: <defaults>
</compile_context>

<pallas_src>
import jax
import jax.numpy as jnp
from jax import lax
from jax.experimental import pallas as pl
from jax.experimental.pallas import tpu as pltpu
from jax.experimental.pallas import tpu_sc as plsc

BATCH = 16384
FEAT = 64
NUM_CLASSES = 100000

NC = 2
NS = 16
NW = NC * NS
BPW = BATCH // NW
H0 = 50048
H1 = NUM_CLASSES - H0


def _sc_body(labels_hbm, featT_hbm, centersT_hbm, tailT_hbm,
             parts_hbm, num_hbm,
             dimrow_v, partial_v, labs_v, feat_v, num_v,
             lab_sem, feat_sems, dim_sem):
    c = lax.axis_index("c")
    s = lax.axis_index("s")
    w = c * NS + s

    lab_cp = pltpu.async_copy(labels_hbm, labs_v, lab_sem)
    feat_cps = [
        pltpu.async_copy(featT_hbm.at[c * 32 + p * 16 + s],
                         feat_v[p], feat_sems[p])
        for p in range(2)
    ]
    lab_cp.wait()

    ones = jnp.ones((16,), jnp.float32)
    zeros = jnp.zeros((16,), jnp.float32)

    for h in range(2):
        lo = h * H0
        hsz = H0 if h == 0 else H1

        @plsc.parallel_loop(0, (hsz + 15) // 16, 1, unroll=8)
        def _zero(k):
            dimrow_v[pl.ds(k * 16, 16)] = zeros

        @plsc.parallel_loop(0, BATCH // 16, 1, unroll=8)
        def _count(st):
            lab = labs_v[pl.ds(st * 16, 16)]
            loc = lab - lo
            m = (loc >= 0) & (loc < hsz)
            plsc.addupdate_scatter(dimrow_v, [loc], ones, mask=m)

        @plsc.parallel_loop(0, BPW // 16, 1, unroll=8)
        def _mynum(j):
            lab = labs_v[pl.ds(w * BPW + j * 16, 16)]
            loc = lab - lo
            m = (loc >= 0) & (loc < hsz)
            g = plsc.load_gather(dimrow_v, [loc], mask=m)
            cur = num_v[pl.ds(j * 16, 16)]
            num_v[pl.ds(j * 16, 16)] = jnp.where(m, g, cur)

    ncp = pltpu.async_copy(num_v, num_hbm.at[pl.ds(w * BPW, BPW)], lab_sem)

    for p in range(2):
        feat_cps[p].wait()
        for h in range(2):
            lo = h * H0
            hsz = H0 if h == 0 else H1
            d = c * 32 + p * 16 + s
            if h == 0:
                pltpu.sync_copy(centersT_hbm.at[d, pl.ds(0, H0)],
                                dimrow_v.at[pl.ds(0, H0)])
            else:
                lin = H1 - 32
                pltpu.sync_copy(centersT_hbm.at[d, pl.ds(H0, lin)],
                                dimrow_v.at[pl.ds(0, lin)])
                pltpu.sync_copy(tailT_hbm.at[d],
                                dimrow_v.at[pl.ds(lin, 128)])

            @plsc.parallel_loop(0, BATCH // 16, 1, unroll=8)
            def _sweep(st):
                lab = labs_v[pl.ds(st * 16, 16)]
                loc = lab - lo
                m = (loc >= 0) & (loc < hsz)
                cv = plsc.load_gather(dimrow_v, [loc], mask=m)
                f = feat_v[p][pl.ds(st * 16, 16)]
                d = f - cv
                dd = jnp.where(m, d * d, zeros)
                prow = st >> 6
                pcol = (st & 63) * 16
                if p == 0 and h == 0:
                    partial_v[prow, pl.ds(pcol, 16)] = dd
                else:
                    partial_v[prow, pl.ds(pcol, 16)] = (
                        partial_v[prow, pl.ds(pcol, 16)] + dd)

    ncp.wait()
    pltpu.sync_copy(partial_v, parts_hbm.at[pl.ds(w * 16, 16)])


@jax.jit
def _sc_stage(labels2d, featT, centersT, tailT):
    mesh = plsc.VectorSubcoreMesh(core_axis_name="c", subcore_axis_name="s")
    fn = pl.kernel(
        _sc_body,
        out_type=(
            jax.ShapeDtypeStruct((512, 1024), jnp.float32),
            jax.ShapeDtypeStruct((BATCH,), jnp.float32),
        ),
        mesh=mesh,
        compiler_params=pltpu.CompilerParams(
            needs_layout_passes=False, use_tc_tiling_on_sc=True),
        scratch_types=[
            pltpu.VMEM((H0,), jnp.float32),
            pltpu.VMEM((16, 1024), jnp.float32),
            pltpu.VMEM((BATCH,), jnp.int32),
            [pltpu.VMEM((BATCH,), jnp.float32) for _ in range(2)],
            pltpu.VMEM((BPW,), jnp.float32),
            pltpu.SemaphoreType.DMA,
            [pltpu.SemaphoreType.DMA for _ in range(2)],
            pltpu.SemaphoreType.DMA,
        ],
    )
    return fn(labels2d, featT, centersT, tailT)


def _loss_body(parts_ref, num_ref, out_ref):
    sumsq = jnp.zeros((16, 1024), jnp.float32)
    for w in range(NW):
        sumsq = sumsq + parts_ref[w]
    dist = jnp.sqrt(sumsq)
    loss = jnp.sum(dist / num_ref[...]) * (1.0 / BATCH)
    out_ref[...] = loss.reshape(1, 1)


@jax.jit
def _tc_stage(parts, num):
    out = pl.pallas_call(
        _loss_body,
        out_shape=jax.ShapeDtypeStruct((1, 1), jnp.float32),
    )(parts.reshape(NW, 16, 1024), num.reshape(16, 1024))
    return out[0, 0]


def kernel(feature, label, centers):
    labels2d = jnp.asarray(label, jnp.int32)
    featT = jnp.transpose(feature)
    centersT = jnp.transpose(centers)
    tailT = jnp.concatenate(
        [centersT[:, NUM_CLASSES - 32:], jnp.zeros((FEAT, 96), jnp.float32)],
        axis=1)
    parts, num = _sc_stage(labels2d, featT, centersT, tailT)
    return _tc_stage(parts, num)

# --- scband reference (transcript-rebuilt; emitter-appended) ---
"""Pipeline reference for scband-center-loss-81123342287602 (READ-ONLY COPY).

The authoritative reference and input builder live on the scoring server;
editing this copy changes nothing except your own understanding.
"""

import jax, jax.numpy as jnp
import numpy as np

NUM_CLASSES = 100000
FEATURE_DIM = 64
BATCH = 16384


def setup_inputs(seed: int = 0) -> dict:
    key = jax.random.key(seed)
    k1, k2, k3 = jax.random.split(key, 3)
    feature = jax.random.normal(k1, (BATCH, FEATURE_DIM), dtype=jnp.float32)
    label = jax.random.randint(k2, (BATCH,), 0, NUM_CLASSES)
    centers = jax.random.normal(k3, (NUM_CLASSES, FEATURE_DIM), dtype=jnp.float32)
    return {"feature": feature, "label": label, "centers": centers}


def reference(feature, label, centers):
    num_classes = centers.shape[0]
    # centers.index_select(0, label) -> gather
    center_exp = jnp.take(centers, label, axis=0)
    # torch.histc(label, bins=num_classes, min=0, max=num_classes) with integer
    # labels in [0, num_classes) is equivalent to a bincount of length num_classes
    count = jnp.bincount(label, length=num_classes).astype(feature.dtype)
    # count.index_select(0, label)
    num = jnp.take(count, label, axis=0)
    dist = jnp.sqrt(jnp.sum((feature - center_exp) ** 2, axis=1))
    loss = jnp.sum(dist / num) / feature.shape[0]
    return loss

if __name__ == "__main__":
    import jax
    _d = setup_inputs()
    print(jax.jit(kernel)(*tuple(_d.values())))

</pallas_src>

<mosaic_0001>
#map = affine_map<(d0, d1) -> (0)>
#map1 = affine_map<(d0, d1) -> (0, 0)>
module attributes {stable_mosaic.version = 14 : i64} {
  func.func @_sc_body(%arg0: i32, %arg1: i32, %arg2: memref<16384xi32, #tpu.memory_space<hbm>>, %arg3: memref<64x16384xf32, #tpu.memory_space<hbm>>, %arg4: memref<64x100000xf32, #tpu.memory_space<hbm>>, %arg5: memref<64x128xf32, #tpu.memory_space<hbm>>, %arg6: memref<512x1024xf32, #tpu.memory_space<hbm>>, %arg7: memref<16384xf32, #tpu.memory_space<hbm>>, %arg8: memref<50048xf32, #tpu.memory_space<vmem>>, %arg9: memref<16x1024xf32, #tpu.memory_space<vmem>>, %arg10: memref<16384xi32, #tpu.memory_space<vmem>>, %arg11: memref<16384xf32, #tpu.memory_space<vmem>>, %arg12: memref<16384xf32, #tpu.memory_space<vmem>>, %arg13: memref<512xf32, #tpu.memory_space<vmem>>, %arg14: memref<!tpu.dma_semaphore, #tpu.memory_space<semaphore_mem>>, %arg15: memref<!tpu.dma_semaphore, #tpu.memory_space<semaphore_mem>>, %arg16: memref<!tpu.dma_semaphore, #tpu.memory_space<semaphore_mem>>, %arg17: memref<!tpu.dma_semaphore, #tpu.memory_space<semaphore_mem>>) attributes {dimension_semantics = [#tpu.dimension_semantics<core_parallel>, #tpu.dimension_semantics<subcore_parallel>], iteration_bounds = array<i64: 2, 16>, scalar_prefetch = 0 : i64, scratch_operands = 10 : i64, tpu.core_type = #tpu.core_type<sc_vector_subcore>, window_params = [{transform_indices = #map}, {transform_indices = #map1}, {transform_indices = #map1}, {transform_indices = #map1}, {transform_indices = #map1}, {transform_indices = #map}]} {
    %mul3A = arith.constant 16 : i32
    %mul3A_0 = arith.muli %arg0, %mul3A : i32
    %add3A = arith.addi %mul3A_0, %arg1 : i32
    tpu.enqueue_dma source(%arg2 : memref<16384xi32, #tpu.memory_space<hbm>>) target(%arg10 : memref<16384xi32, #tpu.memory_space<vmem>>) target_semaphore(%arg14 : memref<!tpu.dma_semaphore, #tpu.memory_space<semaphore_mem>>)
    %mul3A_1 = arith.constant 32 : i32
    %mul3A_2 = arith.muli %arg0, %mul3A_1 : i32
    %add3A_3 = arith.constant 0 : i32
    %add3A_4 = arith.addi %mul3A_2, %add3A_3 : i32
    %add3A_5 = arith.addi %add3A_4, %arg1 : i32
    %dma_start3A = arith.constant 0 : i32
    %dma_start3A_6 = tpu.memref_slice %arg3[%add3A_5, %dma_start3A] : memref<64x16384xf32, #tpu.memory_space<hbm>> -> memref<1x16384xf32, #tpu.memory_space<hbm>>
    %dma_start3A_7 = tpu.memref_squeeze %dma_start3A_6 : memref<1x16384xf32, #tpu.memory_space<hbm>> -> memref<16384xf32, #tpu.memory_space<hbm>>
    %dma_start3A_8 = arith.constant 0 : i32
    %dma_start3A_9 = tpu.memref_slice %arg3[%add3A_5, %dma_start3A_8] : memref<64x16384xf32, #tpu.memory_space<hbm>> -> memref<1x16384xf32, #tpu.memory_space<hbm>>
    %dma_start3A_10 = tpu.memref_squeeze %dma_start3A_9 : memref<1x16384xf32, #tpu.memory_space<hbm>> -> memref<16384xf32, #tpu.memory_space<hbm>>
    tpu.enqueue_dma source(%dma_start3A_10 : memref<16384xf32, #tpu.memory_space<hbm>>) target(%arg11 : memref<16384xf32, #tpu.memory_space<vmem>>) target_semaphore(%arg15 : memref<!tpu.dma_semaphore, #tpu.memory_space<semaphore_mem>>)
    %mul3A_11 = arith.constant 32 : i32
    %mul3A_12 = arith.muli %arg0, %mul3A_11 : i32
    %add3A_13 = arith.constant 16 : i32
    %add3A_14 = arith.addi %mul3A_12, %add3A_13 : i32
    %add3A_15 = arith.addi %add3A_14, %arg1 : i32
    %dma_start3A_16 = arith.constant 0 : i32
    %dma_start3A_17 = tpu.memref_slice %arg3[%add3A_15, %dma_start3A_16] : memref<64x16384xf32, #tpu.memory_space<hbm>> -> memref<1x16384xf32, #tpu.memory_space<hbm>>
    %dma_start3A_18 = tpu.memref_squeeze %dma_start3A_17 : memref<1x16384xf32, #tpu.memory_space<hbm>> -> memref<16384xf32, #tpu.memory_space<hbm>>
    %dma_start3A_19 = arith.constant 0 : i32
    %dma_start3A_20 = tpu.memref_slice %arg3[%add3A_15, %dma_start3A_19] : memref<64x16384xf32, #tpu.memory_space<hbm>> -> memref<1x16384xf32, #tpu.memory_space<hbm>>
    %dma_start3A_21 = tpu.memref_squeeze %dma_start3A_20 : memref<1x16384xf32, #tpu.memory_space<hbm>> -> memref<16384xf32, #tpu.memory_space<hbm>>
    tpu.enqueue_dma source(%dma_start3A_21 : memref<16384xf32, #tpu.memory_space<hbm>>) target(%arg12 : memref<16384xf32, #tpu.memory_space<vmem>>) target_semaphore(%arg16 : memref<!tpu.dma_semaphore, #tpu.memory_space<semaphore_mem>>)
    tpu.wait_dma2 semaphore(%arg14 : memref<!tpu.dma_semaphore, #tpu.memory_space<semaphore_mem>>) src(%arg2 : memref<16384xi32, #tpu.memory_space<hbm>>) dst(%arg10 : memref<16384xi32, #tpu.memory_space<vmem>>)
    %broadcast_in_dim3A = arith.constant 1.000000e+00 : f32
    %broadcast_in_dim3A_22 = vector.broadcast %broadcast_in_dim3A : f32 to vector<16xf32>
    %broadcast_in_dim3A_23 = arith.constant 0.000000e+00 : f32
    %broadcast_in_dim3A_24 = vector.broadcast %broadcast_in_dim3A_23 : f32 to vector<16xf32>
    %parallel_loop3A = arith.constant 0 : i32
    %parallel_loop3A_25 = arith.constant 3128 : i32
    %parallel_loop3A_26 = arith.constant 1 : i32
    scf.for %parallel_loop3A_93 = %parallel_loop3A to %parallel_loop3A_25 step %parallel_loop3A_26  : i32 {
      %parallel_loop3A_94 = arith.constant 16 : i32
      %parallel_loop3A_95 = arith.muli %parallel_loop3A_93, %parallel_loop3A_94 : i32
      %parallel_loop3A_96 = arith.index_cast %parallel_loop3A_95 : i32 to index
      %parallel_loop3A_97 = tpu.vector_load %arg8[%parallel_loop3A_96] {strides = array<i32>} : memref<50048xf32, #tpu.memory_space<vmem>>, vector<16xf32>,
      tpu.vector_store %arg8[%parallel_loop3A_96], %broadcast_in_dim3A_24 {strides = array<i32>} : memref<50048xf32, #tpu.memory_space<vmem>>, vector<16xf32>,
    } {sc.loop_unroll_factor = 8 : i64, sc.parallel_access}
    %parallel_loop3A_27 = arith.constant 0 : i32
    %parallel_loop3A_28 = arith.constant 1024 : i32
    %parallel_loop3A_29 = arith.constant 1 : i32
    scf.for %parallel_loop3A_93 = %parallel_loop3A_27 to %parallel_loop3A_28 step %parallel_loop3A_29  : i32 {
      %parallel_loop3A_94 = arith.constant 16 : i32
      %parallel_loop3A_95 = arith.muli %parallel_loop3A_93, %parallel_loop3A_94 : i32
      %parallel_loop3A_96 = arith.index_cast %parallel_loop3A_95 : i32 to index
      %parallel_loop3A_97 = tpu.vector_load %arg10[%parallel_loop3A_96] {strides = array<i32>} : memref<16384xi32, #tpu.memory_space<vmem>>, vector<16xi32>,
      %parallel_loop3A_98 = arith.constant 0 : i32
      %parallel_loop3A_99 = vector.broadcast %parallel_loop3A_98 : i32 to vector<16xi32>
      %parallel_loop3A_100 = arith.subi %parallel_loop3A_97, %parallel_loop3A_99 : vector<16xi32>
      %parallel_loop3A_101 = arith.constant 0 : i32
      %parallel_loop3A_102 = vector.broadcast %parallel_loop3A_101 : i32 to vector<16xi32>
      %parallel_loop3A_103 = arith.cmpi sge, %parallel_loop3A_100, %parallel_loop3A_102 : vector<16xi32>
      %parallel_loop3A_104 = arith.constant 50048 : i32
      %parallel_loop3A_105 = vector.broadcast %parallel_loop3A_104 : i32 to vector<16xi32>
      %parallel_loop3A_106 = arith.cmpi slt, %parallel_loop3A_100, %parallel_loop3A_105 : vector<16xi32>
      %parallel_loop3A_107 = arith.andi %parallel_loop3A_103, %parallel_loop3A_106 : vector<16xi1>
      tpu.vector_store_idx %arg8[%parallel_loop3A_100], %broadcast_in_dim3A_22 masked %parallel_loop3A_107 {add = true} : memref<50048xf32, #tpu.memory_space<vmem>>[vector<16xi32>], vector<16xf32>, vector<16xi1>
    } {sc.loop_unroll_factor = 8 : i64, sc.parallel_access}
    %parallel_loop3A_30 = arith.constant 0 : i32
    %parallel_loop3A_31 = arith.constant 32 : i32
    %parallel_loop3A_32 = arith.constant 1 : i32
    scf.for %parallel_loop3A_93 = %parallel_loop3A_30 to %parallel_loop3A_31 step %parallel_loop3A_32  : i32 {
      %parallel_loop3A_94 = arith.constant 512 : i32
      %parallel_loop3A_95 = arith.muli %add3A, %parallel_loop3A_94 : i32
      %parallel_loop3A_96 = arith.constant 16 : i32
      %parallel_loop3A_97 = arith.muli %parallel_loop3A_93, %parallel_loop3A_96 : i32
      %parallel_loop3A_98 = arith.addi %parallel_loop3A_95, %parallel_loop3A_97 : i32
      %parallel_loop3A_99 = arith.index_cast %parallel_loop3A_98 : i32 to index
      %parallel_loop3A_100 = tpu.vector_load %arg10[%parallel_loop3A_99] {strides = array<i32>} : memref<16384xi32, #tpu.memory_space<vmem>>, vector<16xi32>,
      %parallel_loop3A_101 = arith.constant 0 : i32
      %parallel_loop3A_102 = vector.broadcast %parallel_loop3A_101 : i32 to vector<16xi32>
      %parallel_loop3A_103 = arith.subi %parallel_loop3A_100, %parallel_loop3A_102 : vector<16xi32>
      %parallel_loop3A_104 = arith.constant 0 : i32
      %parallel_loop3A_105 = vector.broadcast %parallel_loop3A_104 : i32 to vector<16xi32>
      %parallel_loop3A_106 = arith.cmpi sge, %parallel_loop3A_103, %parallel_loop3A_105 : vector<16xi32>
      %parallel_loop3A_107 = arith.constant 50048 : i32
      %parallel_loop3A_108 = vector.broadcast %parallel_loop3A_107 : i32 to vector<16xi32>
      %parallel_loop3A_109 = arith.cmpi slt, %parallel_loop3A_103, %parallel_loop3A_108 : vector<16xi32>
      %parallel_loop3A_110 = arith.andi %parallel_loop3A_106, %parallel_loop3A_109 : vector<16xi1>
      %parallel_loop3A_111 = tpu.vector_load_idx %arg8[%parallel_loop3A_103] masked %parallel_loop3A_110 : memref<50048xf32, #tpu.memory_space<vmem>>[vector<16xi32>], vector<16xf32>, vector<16xi1>
      %parallel_loop3A_112 = arith.constant 16 : i32
      %parallel_loop3A_113 = arith.muli %parallel_loop3A_93, %parallel_loop3A_112 : i32
      %parallel_loop3A_114 = arith.index_cast %parallel_loop3A_113 : i32 to index
      %parallel_loop3A_115 = tpu.vector_load %arg13[%parallel_loop3A_114] {strides = array<i32>} : memref<512xf32, #tpu.memory_space<vmem>>, vector<16xf32>,
      %parallel_loop3A_116 = arith.select %parallel_loop3A_110, %parallel_loop3A_111, %parallel_loop3A_115 : vector<16xi1>, vector<16xf32>
      %parallel_loop3A_117 = arith.constant 16 : i32
      %parallel_loop3A_118 = arith.muli %parallel_loop3A_93, %parallel_loop3A_117 : i32
      %parallel_loop3A_119 = arith.index_cast %parallel_loop3A_118 : i32 to index
      %parallel_loop3A_120 = tpu.vector_load %arg13[%parallel_loop3A_119] {strides = array<i32>} : memref<512xf32, #tpu.memory_space<vmem>>, vector<16xf32>,
      tpu.vector_store %arg13[%parallel_loop3A_119], %parallel_loop3A_116 {strides = array<i32>} : memref<512xf32, #tpu.memory_space<vmem>>, vector<16xf32>,
    } {sc.loop_unroll_factor = 8 : i64, sc.parallel_access}
    %parallel_loop3A_33 = arith.constant 0 : i32
    %parallel_loop3A_34 = arith.constant 3122 : i32
    %parallel_loop3A_35 = arith.constant 1 : i32
    scf.for %parallel_loop3A_93 = %parallel_loop3A_33 to %parallel_loop3A_34 step %parallel_loop3A_35  : i32 {
      %parallel_loop3A_94 = arith.constant 16 : i32
      %parallel_loop3A_95 = arith.muli %parallel_loop3A_93, %parallel_loop3A_94 : i32
      %parallel_loop3A_96 = arith.index_cast %parallel_loop3A_95 : i32 to index
      %parallel_loop3A_97 = tpu.vector_load %arg8[%parallel_loop3A_96] {strides = array<i32>} : memref<50048xf32, #tpu.memory_space<vmem>>, vector<16xf32>,
      tpu.vector_store %arg8[%parallel_loop3A_96], %broadcast_in_dim3A_24 {strides = array<i32>} : memref<50048xf32, #tpu.memory_space<vmem>>, vector<16xf32>,
    } {sc.loop_unroll_factor = 8 : i64, sc.parallel_access}
    %parallel_loop3A_36 = arith.constant 0 : i32
    %parallel_loop3A_37 = arith.constant 1024 : i32
    %parallel_loop3A_38 = arith.constant 1 : i32
    scf.for %parallel_loop3A_93 = %parallel_loop3A_36 to %parallel_loop3A_37 step %parallel_loop3A_38  : i32 {
      %parallel_loop3A_94 = arith.constant 16 : i32
      %parallel_loop3A_95 = arith.muli %parallel_loop3A_93, %parallel_loop3A_94 : i32
      %parallel_loop3A_96 = arith.index_cast %parallel_loop3A_95 : i32 to index
      %parallel_loop3A_97 = tpu.vector_load %arg10[%parallel_loop3A_96] {strides = array<i32>} : memref<16384xi32, #tpu.memory_space<vmem>>, vector<16xi32>,
      %parallel_loop3A_98 = arith.constant 50048 : i32
      %parallel_loop3A_99 = vector.broadcast %parallel_loop3A_98 : i32 to vector<16xi32>
      %parallel_loop3A_100 = arith.subi %parallel_loop3A_97, %parallel_loop3A_99 : vector<16xi32>
      %parallel_loop3A_101 = arith.constant 0 : i32
      %parallel_loop3A_102 = vector.broadcast %parallel_loop3A_101 : i32 to vector<16xi32>
      %parallel_loop3A_103 = arith.cmpi sge, %parallel_loop3A_100, %parallel_loop3A_102 : vector<16xi32>
      %parallel_loop3A_104 = arith.constant 49952 : i32
      %parallel_loop3A_105 = vector.broadcast %parallel_loop3A_104 : i32 to vector<16xi32>
      %parallel_loop3A_106 = arith.cmpi slt, %parallel_loop3A_100, %parallel_loop3A_105 : vector<16xi32>
      %parallel_loop3A_107 = arith.andi %parallel_loop3A_103, %parallel_loop3A_106 : vector<16xi1>
      tpu.vector_store_idx %arg8[%parallel_loop3A_100], %broadcast_in_dim3A_22 masked %parallel_loop3A_107 {add = true} : memref<50048xf32, #tpu.memory_space<vmem>>[vector<16xi32>], vector<16xf32>, vector<16xi1>
    } {sc.loop_unroll_factor = 8 : i64, sc.parallel_access}
    %parallel_loop3A_39 = arith.constant 0 : i32
    %parallel_loop3A_40 = arith.constant 32 : i32
    %parallel_loop3A_41 = arith.constant 1 : i32
    scf.for %parallel_loop3A_93 = %parallel_loop3A_39 to %parallel_loop3A_40 step %parallel_loop3A_41  : i32 {
      %parallel_loop3A_94 = arith.constant 512 : i32
      %parallel_loop3A_95 = arith.muli %add3A, %parallel_loop3A_94 : i32
      %parallel_loop3A_96 = arith.constant 16 : i32
      %parallel_loop3A_97 = arith.muli %parallel_loop3A_93, %parallel_loop3A_96 : i32
      %parallel_loop3A_98 = arith.addi %parallel_loop3A_95, %parallel_loop3A_97 : i32
      %parallel_loop3A_99 = arith.index_cast %parallel_loop3A_98 : i32 to index
      %parallel_loop3A_100 = tpu.vector_load %arg10[%parallel_loop3A_99] {strides = array<i32>} : memref<16384xi32, #tpu.memory_space<vmem>>, vector<16xi32>,
      %parallel_loop3A_101 = arith.constant 50048 : i32
      %parallel_loop3A_102 = vector.broadcast %parallel_loop3A_101 : i32 to vector<16xi32>
      %parallel_loop3A_103 = arith.subi %parallel_loop3A_100, %parallel_loop3A_102 : vector<16xi32>
      %parallel_loop3A_104 = arith.constant 0 : i32
      %parallel_loop3A_105 = vector.broadcast %parallel_loop3A_104 : i32 to vector<16xi32>
      %parallel_loop3A_106 = arith.cmpi sge, %parallel_loop3A_103, %parallel_loop3A_105 : vector<16xi32>
      %parallel_loop3A_107 = arith.constant 49952 : i32
      %parallel_loop3A_108 = vector.broadcast %parallel_loop3A_107 : i32 to vector<16xi32>
      %parallel_loop3A_109 = arith.cmpi slt, %parallel_loop3A_103, %parallel_loop3A_108 : vector<16xi32>
      %parallel_loop3A_110 = arith.andi %parallel_loop3A_106, %parallel_loop3A_109 : vector<16xi1>
      %parallel_loop3A_111 = tpu.vector_load_idx %arg8[%parallel_loop3A_103] masked %parallel_loop3A_110 : memref<50048xf32, #tpu.memory_space<vmem>>[vector<16xi32>], vector<16xf32>, vector<16xi1>
      %parallel_loop3A_112 = arith.constant 16 : i32
      %parallel_loop3A_113 = arith.muli %parallel_loop3A_93, %parallel_loop3A_112 : i32
      %parallel_loop3A_114 = arith.index_cast %parallel_loop3A_113 : i32 to index
      %parallel_loop3A_115 = tpu.vector_load %arg13[%parallel_loop3A_114] {strides = array<i32>} : memref<512xf32, #tpu.memory_space<vmem>>, vector<16xf32>,
      %parallel_loop3A_116 = arith.select %parallel_loop3A_110, %parallel_loop3A_111, %parallel_loop3A_115 : vector<16xi1>, vector<16xf32>
      %parallel_loop3A_117 = arith.constant 16 : i32
      %parallel_loop3A_118 = arith.muli %parallel_loop3A_93, %parallel_loop3A_117 : i32
      %parallel_loop3A_119 = arith.index_cast %parallel_loop3A_118 : i32 to index
      %parallel_loop3A_120 = tpu.vector_load %arg13[%parallel_loop3A_119] {strides = array<i32>} : memref<512xf32, #tpu.memory_space<vmem>>, vector<16xf32>,
      tpu.vector_store %arg13[%parallel_loop3A_119], %parallel_loop3A_116 {strides = array<i32>} : memref<512xf32, #tpu.memory_space<vmem>>, vector<16xf32>,
    } {sc.loop_unroll_factor = 8 : i64, sc.parallel_access}
    %mul3A_42 = arith.constant 512 : i32
    %mul3A_43 = arith.muli %add3A, %mul3A_42 : i32
    %dma_start3A_44 = tpu.memref_slice %arg7[%mul3A_43] : memref<16384xf32, #tpu.memory_space<hbm>> -> memref<512xf32, #tpu.memory_space<hbm>>
    %dma_start3A_45 = tpu.memref_slice %arg7[%mul3A_43] : memref<16384xf32, #tpu.memory_space<hbm>> -> memref<512xf32, #tpu.memory_space<hbm>>
    tpu.enqueue_dma source(%arg13 : memref<512xf32, #tpu.memory_space<vmem>>) target(%dma_start3A_45 : memref<512xf32, #tpu.memory_space<hbm>>) target_semaphore(%arg14 : memref<!tpu.dma_semaphore, #tpu.memory_space<semaphore_mem>>)
    %dma_wait3A = arith.constant 0 : i32
    %dma_wait3A_46 = tpu.memref_slice %arg3[%add3A_5, %dma_wait3A] : memref<64x16384xf32, #tpu.memory_space<hbm>> -> memref<1x16384xf32, #tpu.memory_space<hbm>>
    %dma_wait3A_47 = tpu.memref_squeeze %dma_wait3A_46 : memref<1x16384xf32, #tpu.memory_space<hbm>> -> memref<16384xf32, #tpu.memory_space<hbm>>
    %dma_wait3A_48 = arith.constant 0 : i32
    %dma_wait3A_49 = tpu.memref_slice %arg3[%add3A_5, %dma_wait3A_48] : memref<64x16384xf32, #tpu.memory_space<hbm>> -> memref<1x16384xf32, #tpu.memory_space<hbm>>
    %dma_wait3A_50 = tpu.memref_squeeze %dma_wait3A_49 : memref<1x16384xf32, #tpu.memory_space<hbm>> -> memref<16384xf32, #tpu.memory_space<hbm>>
    tpu.wait_dma2 semaphore(%arg15 : memref<!tpu.dma_semaphore, #tpu.memory_space<semaphore_mem>>) src(%dma_wait3A_50 : memref<16384xf32, #tpu.memory_space<hbm>>) dst(%arg11 : memref<16384xf32, #tpu.memory_space<vmem>>)
    %mul3A_51 = arith.constant 32 : i32
    %mul3A_52 = arith.muli %arg0, %mul3A_51 : i32
    %add3A_53 = arith.constant 0 : i32
    %add3A_54 = arith.addi %mul3A_52, %add3A_53 : i32
    %add3A_55 = arith.addi %add3A_54, %arg1 : i32
    "tpu.region"() ({
      %run_scoped3A = tpu.sem_alloc : memref<!tpu.dma_semaphore, #tpu.memory_space<semaphore_mem>>
      %dma_start3A_93 = arith.constant 0 : i32
      %dma_start3A_94 = tpu.memref_slice %arg8[%dma_start3A_93] : memref<50048xf32, #tpu.memory_space<vmem>> -> memref<50048xf32, #tpu.memory_space<vmem>>
      %dma_start3A_95 = arith.constant 0 : i32
      %dma_start3A_96 = tpu.memref_slice %arg4[%add3A_55, %dma_start3A_95] : memref<64x100000xf32, #tpu.memory_space<hbm>> -> memref<1x50048xf32, #tpu.memory_space<hbm>>
      %dma_start3A_97 = tpu.memref_squeeze %dma_start3A_96 : memref<1x50048xf32, #tpu.memory_space<hbm>> -> memref<50048xf32, #tpu.memory_space<hbm>>
      %dma_start3A_98 = arith.constant 0 : i32
      %dma_start3A_99 = tpu.memref_slice %arg8[%dma_start3A_98] : memref<50048xf32, #tpu.memory_space<vmem>> -> memref<50048xf32, #tpu.memory_space<vmem>>
      %dma_start3A_100 = arith.constant 0 : i32
      %dma_start3A_101 = tpu.memref_slice %arg4[%add3A_55, %dma_start3A_100] : memref<64x100000xf32, #tpu.memory_space<hbm>> -> memref<1x50048xf32, #tpu.memory_space<hbm>>
      %dma_start3A_102 = tpu.memref_squeeze %dma_start3A_101 : memref<1x50048xf32, #tpu.memory_space<hbm>> -> memref<50048xf32, #tpu.memory_space<hbm>>
      tpu.enqueue_dma source(%dma_start3A_102 : memref<50048xf32, #tpu.memory_space<hbm>>) target(%dma_start3A_99 : memref<50048xf32, #tpu.memory_space<vmem>>) target_semaphore(%run_scoped3A : memref<!tpu.dma_semaphore, #tpu.memory_space<semaphore_mem>>)
      %dma_wait3A_103 = arith.constant 0 : i32
      %dma_wait3A_104 = tpu.memref_slice %arg8[%dma_wait3A_103] : memref<50048xf32, #tpu.memory_space<vmem>> -> memref<50048xf32, #tpu.memory_space<vmem>>
      %dma_wait3A_105 = arith.constant 0 : i32
      %dma_wait3A_106 = tpu.memref_slice %arg4[%add3A_55, %dma_wait3A_105] : memref<64x100000xf32, #tpu.memory_space<hbm>> -> memref<1x50048xf32, #tpu.memory_space<hbm>>
      %dma_wait3A_107 = tpu.memref_squeeze %dma_wait3A_106 : memref<1x50048xf32, #tpu.memory_space<hbm>> -> memref<50048xf32, #tpu.memory_space<hbm>>
      %dma_wait3A_108 = arith.constant 0 : i32
      %dma_wait3A_109 = tpu.memref_slice %arg8[%dma_wait3A_108] : memref<50048xf32, #tpu.memory_space<vmem>> -> memref<50048xf32, #tpu.memory_space<vmem>>
      %dma_wait3A_110 = arith.constant 0 : i32
      %dma_wait3A_111 = tpu.memref_slice %arg4[%add3A_55, %dma_wait3A_110] : memref<64x100000xf32, #tpu.memory_space<hbm>> -> memref<1x50048xf32, #tpu.memory_space<hbm>>
      %dma_wait3A_112 = tpu.memref_squeeze %dma_wait3A_111 : memref<1x50048xf32, #tpu.memory_space<hbm>> -> memref<50048xf32, #tpu.memory_space<hbm>>
      tpu.wait_dma2 semaphore(%run_scoped3A : memref<!tpu.dma_semaphore, #tpu.memory_space<semaphore_mem>>) src(%dma_wait3A_112 : memref<50048xf32, #tpu.memory_space<hbm>>) dst(%dma_wait3A_109 : memref<50048xf32, #tpu.memory_space<vmem>>)
      tpu.yield
    }) : () -> ()
    %parallel_loop3A_56 = arith.constant 0 : i32
    %parallel_loop3A_57 = arith.constant 1024 : i32
    %parallel_loop3A_58 = arith.constant 1 : i32
    scf.for %parallel_loop3A_93 = %parallel_loop3A_56 to %parallel_loop3A_57 step %parallel_loop3A_58  : i32 {
      %parallel_loop3A_94 = arith.constant 16 : i32
      %parallel_loop3A_95 = arith.muli %parallel_loop3A_93, %parallel_loop3A_94 : i32
      %parallel_loop3A_96 = arith.index_cast %parallel_loop3A_95 : i32 to index
      %parallel_loop3A_97 = tpu.vector_load %arg10[%parallel_loop3A_96] {strides = array<i32>} : memref<16384xi32, #tpu.memory_space<vmem>>, vector<16xi32>,
      %parallel_loop3A_98 = arith.constant 0 : i32
      %parallel_loop3A_99 = vector.broadcast %parallel_loop3A_98 : i32 to vector<16xi32>
      %parallel_loop3A_100 = arith.subi %parallel_loop3A_97, %parallel_loop3A_99 : vector<16xi32>
      %parallel_loop3A_101 = arith.constant 0 : i32
      %parallel_loop3A_102 = vector.broadcast %parallel_loop3A_101 : i32 to vector<16xi32>
      %parallel_loop3A_103 = arith.cmpi sge, %parallel_loop3A_100, %parallel_loop3A_102 : vector<16xi32>
      %parallel_loop3A_104 = arith.constant 50048 : i32
      %parallel_loop3A_105 = vector.broadcast %parallel_loop3A_104 : i32 to vector<16xi32>
      %parallel_loop3A_106 = arith.cmpi slt, %parallel_loop3A_100, %parallel_loop3A_105 : vector<16xi32>
      %parallel_loop3A_107 = arith.andi %parallel_loop3A_103, %parallel_loop3A_106 : vector<16xi1>
      %parallel_loop3A_108 = tpu.vector_load_idx %arg8[%parallel_loop3A_100] masked %parallel_loop3A_107 : memref<50048xf32, #tpu.memory_space<vmem>>[vector<16xi32>], vector<16xf32>, vector<16xi1>
      %parallel_loop3A_109 = arith.constant 16 : i32
      %parallel_loop3A_110 = arith.muli %parallel_loop3A_93, %parallel_loop3A_109 : i32
      %parallel_loop3A_111 = arith.index_cast %parallel_loop3A_110 : i32 to index
      %parallel_loop3A_112 = tpu.vector_load %arg11[%parallel_loop3A_111] {strides = array<i32>} : memref<16384xf32, #tpu.memory_space<vmem>>, vector<16xf32>,
      %parallel_loop3A_113 = arith.subf %parallel_loop3A_112, %parallel_loop3A_108 : vector<16xf32>
      %parallel_loop3A_114 = arith.mulf %parallel_loop3A_113, %parallel_loop3A_113 : vector<16xf32>
      %parallel_loop3A_115 = arith.select %parallel_loop3A_107, %parallel_loop3A_114, %broadcast_in_dim3A_24 : vector<16xi1>, vector<16xf32>
      %parallel_loop3A_116 = arith.constant 6 : i32
      %parallel_loop3A_117 = arith.shrsi %parallel_loop3A_93, %parallel_loop3A_116 : i32
      %parallel_loop3A_118 = arith.constant 63 : i32
      %parallel_loop3A_119 = arith.andi %parallel_loop3A_93, %parallel_loop3A_118 : i32
      %parallel_loop3A_120 = arith.constant 16 : i32
      %parallel_loop3A_121 = arith.muli %parallel_loop3A_119, %parallel_loop3A_120 : i32
      %parallel_loop3A_122 = arith.index_cast %parallel_loop3A_117 : i32 to index
      %parallel_loop3A_123 = arith.index_cast %parallel_loop3A_121 : i32 to index
      %parallel_loop3A_124 = tpu.vector_load %arg9[%parallel_loop3A_122, %parallel_loop3A_123] {strides = array<i32>} : memref<16x1024xf32, #tpu.memory_space<vmem>>, vector<16xf32>,
      tpu.vector_store %arg9[%parallel_loop3A_122, %parallel_loop3A_123], %parallel_loop3A_115 {strides = array<i32>} : memref<16x1024xf32, #tpu.memory_space<vmem>>, vector<16xf32>,
    } {sc.loop_unroll_factor = 8 : i64, sc.parallel_access}
    %mul3A_59 = arith.constant 32 : i32
    %mul3A_60 = arith.muli %arg0, %mul3A_59 : i32
    %add3A_61 = arith.constant 0 : i32
    %add3A_62 = arith.addi %mul3A_60, %add3A_61 : i32
    %add3A_63 = arith.addi %add3A_62, %arg1 : i32
    "tpu.region"() ({
      %run_scoped3A = tpu.sem_alloc : memref<!tpu.dma_semaphore, #tpu.memory_space<semaphore_mem>>
      %dma_start3A_93 = arith.constant 0 : i32
      %dma_start3A_94 = tpu.memref_slice %arg8[%dma_start3A_93] : memref<50048xf32, #tpu.memory_space<vmem>> -> memref<49920xf32, #tpu.memory_space<vmem>>
      %dma_start3A_95 = arith.constant 50048 : i32
      %dma_start3A_96 = tpu.memref_slice %arg4[%add3A_63, %dma_start3A_95] : memref<64x100000xf32, #tpu.memory_space<hbm>> -> memref<1x49920xf32, #tpu.memory_space<hbm>>
      %dma_start3A_97 = tpu.memref_squeeze %dma_start3A_96 : memref<1x49920xf32, #tpu.memory_space<hbm>> -> memref<49920xf32, #tpu.memory_space<hbm>>
      %dma_start3A_98 = arith.constant 0 : i32
      %dma_start3A_99 = tpu.memref_slice %arg8[%dma_start3A_98] : memref<50048xf32, #tpu.memory_space<vmem>> -> memref<49920xf32, #tpu.memory_space<vmem>>
      %dma_start3A_100 = arith.constant 50048 : i32
      %dma_start3A_101 = tpu.memref_slice %arg4[%add3A_63, %dma_start3A_100] : memref<64x100000xf32, #tpu.memory_space<hbm>> -> memref<1x49920xf32, #tpu.memory_space<hbm>>
      %dma_start3A_102 = tpu.memref_squeeze %dma_start3A_101 : memref<1x49920xf32, #tpu.memory_space<hbm>> -> memref<49920xf32, #tpu.memory_space<hbm>>
      tpu.enqueue_dma source(%dma_start3A_102 : memref<49920xf32, #tpu.memory_space<hbm>>) target(%dma_start3A_99 : memref<49920xf32, #tpu.memory_space<vmem>>) target_semaphore(%run_scoped3A : memref<!tpu.dma_semaphore, #tpu.memory_space<semaphore_mem>>)
      %dma_wait3A_103 = arith.constant 0 : i32
      %dma_wait3A_104 = tpu.memref_slice %arg8[%dma_wait3A_103] : memref<50048xf32, #tpu.memory_space<vmem>> -> memref<49920xf32, #tpu.memory_space<vmem>>
      %dma_wait3A_105 = arith.constant 50048 : i32
      %dma_wait3A_106 = tpu.memref_slice %arg4[%add3A_63, %dma_wait3A_105] : memref<64x100000xf32, #tpu.memory_space<hbm>> -> memref<1x49920xf32, #tpu.memory_space<hbm>>
      %dma_wait3A_107 = tpu.memref_squeeze %dma_wait3A_106 : memref<1x49920xf32, #tpu.memory_space<hbm>> -> memref<49920xf32, #tpu.memory_space<hbm>>
      %dma_wait3A_108 = arith.constant 0 : i32
      %dma_wait3A_109 = tpu.memref_slice %arg8[%dma_wait3A_108] : memref<50048xf32, #tpu.memory_space<vmem>> -> memref<49920xf32, #tpu.memory_space<vmem>>
      %dma_wait3A_110 = arith.constant 50048 : i32
      %dma_wait3A_111 = tpu.memref_slice %arg4[%add3A_63, %dma_wait3A_110] : memref<64x100000xf32, #tpu.memory_space<hbm>> -> memref<1x49920xf32, #tpu.memory_space<hbm>>
      %dma_wait3A_112 = tpu.memref_squeeze %dma_wait3A_111 : memref<1x49920xf32, #tpu.memory_space<hbm>> -> memref<49920xf32, #tpu.memory_space<hbm>>
      tpu.wait_dma2 semaphore(%run_scoped3A : memref<!tpu.dma_semaphore, #tpu.memory_space<semaphore_mem>>) src(%dma_wait3A_112 : memref<49920xf32, #tpu.memory_space<hbm>>) dst(%dma_wait3A_109 : memref<49920xf32, #tpu.memory_space<vmem>>)
      tpu.yield
    }) : () -> ()
    "tpu.region"() ({
      %run_scoped3A = tpu.sem_alloc : memref<!tpu.dma_semaphore, #tpu.memory_space<semaphore_mem>>
      %dma_start3A_93 = arith.constant 49920 : i32
      %dma_start3A_94 = tpu.memref_slice %arg8[%dma_start3A_93] : memref<50048xf32, #tpu.memory_space<vmem>> -> memref<128xf32, #tpu.memory_space<vmem>>
      %dma_start3A_95 = arith.constant 0 : i32
      %dma_start3A_96 = tpu.memref_slice %arg5[%add3A_63, %dma_start3A_95] : memref<64x128xf32, #tpu.memory_space<hbm>> -> memref<1x128xf32, #tpu.memory_space<hbm>>
      %dma_start3A_97 = tpu.memref_squeeze %dma_start3A_96 : memref<1x128xf32, #tpu.memory_space<hbm>> -> memref<128xf32, #tpu.memory_space<hbm>>
      %dma_start3A_98 = arith.constant 49920 : i32
      %dma_start3A_99 = tpu.memref_slice %arg8[%dma_start3A_98] : memref<50048xf32, #tpu.memory_space<vmem>> -> memref<128xf32, #tpu.memory_space<vmem>>
      %dma_start3A_100 = arith.constant 0 : i32
      %dma_start3A_101 = tpu.memref_slice %arg5[%add3A_63, %dma_start3A_100] : memref<64x128xf32, #tpu.memory_space<hbm>> -> memref<1x128xf32, #tpu.memory_space<hbm>>
      %dma_start3A_102 = tpu.memref_squeeze %dma_start3A_101 : memref<1x128xf32, #tpu.memory_space<hbm>> -> memref<128xf32, #tpu.memory_space<hbm>>
      tpu.enqueue_dma source(%dma_start3A_102 : memref<128xf32, #tpu.memory_space<hbm>>) target(%dma_start3A_99 : memref<128xf32, #tpu.memory_space<vmem>>) target_semaphore(%run_scoped3A : memref<!tpu.dma_semaphore, #tpu.memory_space<semaphore_mem>>)
      %dma_wait3A_103 = arith.constant 49920 : i32
      %dma_wait3A_104 = tpu.memref_slice %arg8[%dma_wait3A_103] : memref<50048xf32, #tpu.memory_space<vmem>> -> memref<128xf32, #tpu.memory_space<vmem>>
      %dma_wait3A_105 = arith.constant 0 : i32
      %dma_wait3A_106 = tpu.memref_slice %arg5[%add3A_63, %dma_wait3A_105] : memref<64x128xf32, #tpu.memory_space<hbm>> -> memref<1x128xf32, #tpu.memory_space<hbm>>
      %dma_wait3A_107 = tpu.memref_squeeze %dma_wait3A_106 : memref<1x128xf32, #tpu.memory_space<hbm>> -> memref<128xf32, #tpu.memory_space<hbm>>
      %dma_wait3A_108 = arith.constant 49920 : i32
      %dma_wait3A_109 = tpu.memref_slice %arg8[%dma_wait3A_108] : memref<50048xf32, #tpu.memory_space<vmem>> -> memref<128xf32, #tpu.memory_space<vmem>>
      %dma_wait3A_110 = arith.constant 0 : i32
      %dma_wait3A_111 = tpu.memref_slice %arg5[%add3A_63, %dma_wait3A_110] : memref<64x128xf32, #tpu.memory_space<hbm>> -> memref<1x128xf32, #tpu.memory_space<hbm>>
      %dma_wait3A_112 = tpu.memref_squeeze %dma_wait3A_111 : memref<1x128xf32, #tpu.memory_space<hbm>> -> memref<128xf32, #tpu.memory_space<hbm>>
      tpu.wait_dma2 semaphore(%run_scoped3A : memref<!tpu.dma_semaphore, #tpu.memory_space<semaphore_mem>>) src(%dma_wait3A_112 : memref<128xf32, #tpu.memory_space<hbm>>) dst(%dma_wait3A_109 : memref<128xf32, #tpu.memory_space<vmem>>)
      tpu.yield
    }) : () -> ()
    %parallel_loop3A_64 = arith.constant 0 : i32
    %parallel_loop3A_65 = arith.constant 1024 : i32
    %parallel_loop3A_66 = arith.constant 1 : i32
    scf.for %parallel_loop3A_93 = %parallel_loop3A_64 to %parallel_loop3A_65 step %parallel_loop3A_66  : i32 {
      %parallel_loop3A_94 = arith.constant 16 : i32
      %parallel_loop3A_95 = arith.muli %parallel_loop3A_93, %parallel_loop3A_94 : i32
      %parallel_loop3A_96 = arith.index_cast %parallel_loop3A_95 : i32 to index
      %parallel_loop3A_97 = tpu.vector_load %arg10[%parallel_loop3A_96] {strides = array<i32>} : memref<16384xi32, #tpu.memory_space<vmem>>, vector<16xi32>,
      %parallel_loop3A_98 = arith.constant 50048 : i32
      %parallel_loop3A_99 = vector.broadcast %parallel_loop3A_98 : i32 to vector<16xi32>
      %parallel_loop3A_100 = arith.subi %parallel_loop3A_97, %parallel_loop3A_99 : vector<16xi32>
      %parallel_loop3A_101 = arith.constant 0 : i32
      %parallel_loop3A_102 = vector.broadcast %parallel_loop3A_101 : i32 to vector<16xi32>
      %parallel_loop3A_103 = arith.cmpi sge, %parallel_loop3A_100, %parallel_loop3A_102 : vector<16xi32>
      %parallel_loop3A_104 = arith.constant 49952 : i32
      %parallel_loop3A_105 = vector.broadcast %parallel_loop3A_104 : i32 to vector<16xi32>
      %parallel_loop3A_106 = arith.cmpi slt, %parallel_loop3A_100, %parallel_loop3A_105 : vector<16xi32>
      %parallel_loop3A_107 = arith.andi %parallel_loop3A_103, %parallel_loop3A_106 : vector<16xi1>
      %parallel_loop3A_108 = tpu.vector_load_idx %arg8[%parallel_loop3A_100] masked %parallel_loop3A_107 : memref<50048xf32, #tpu.memory_space<vmem>>[vector<16xi32>], vector<16xf32>, vector<16xi1>
      %parallel_loop3A_109 = arith.constant 16 : i32
      %parallel_loop3A_110 = arith.muli %parallel_loop3A_93, %parallel_loop3A_109 : i32
      %parallel_loop3A_111 = arith.index_cast %parallel_loop3A_110 : i32 to index
      %parallel_loop3A_112 = tpu.vector_load %arg11[%parallel_loop3A_111] {strides = array<i32>} : memref<16384xf32, #tpu.memory_space<vmem>>, vector<16xf32>,
      %parallel_loop3A_113 = arith.subf %parallel_loop3A_112, %parallel_loop3A_108 : vector<16xf32>
      %parallel_loop3A_114 = arith.mulf %parallel_loop3A_113, %parallel_loop3A_113 : vector<16xf32>
      %parallel_loop3A_115 = arith.select %parallel_loop3A_107, %parallel_loop3A_114, %broadcast_in_dim3A_24 : vector<16xi1>, vector<16xf32>
      %parallel_loop3A_116 = arith.constant 6 : i32
      %parallel_loop3A_117 = arith.shrsi %parallel_loop3A_93, %parallel_loop3A_116 : i32
      %parallel_loop3A_118 = arith.constant 63 : i32
      %parallel_loop3A_119 = arith.andi %parallel_loop3A_93, %parallel_loop3A_118 : i32
      %parallel_loop3A_120 = arith.constant 16 : i32
      %parallel_loop3A_121 = arith.muli %parallel_loop3A_119, %parallel_loop3A_120 : i32
      %parallel_loop3A_122 = arith.index_cast %parallel_loop3A_117 : i32 to index
      %parallel_loop3A_123 = arith.index_cast %parallel_loop3A_121 : i32 to index
      %parallel_loop3A_124 = tpu.vector_load %arg9[%parallel_loop3A_122, %parallel_loop3A_123] {strides = array<i32>} : memref<16x1024xf32, #tpu.memory_space<vmem>>, vector<16xf32>,
      %parallel_loop3A_125 = arith.addf %parallel_loop3A_124, %parallel_loop3A_115 : vector<16xf32>
      %parallel_loop3A_126 = arith.index_cast %parallel_loop3A_117 : i32 to index
      %parallel_loop3A_127 = arith.index_cast %parallel_loop3A_121 : i32 to index
      %parallel_loop3A_128 = tpu.vector_load %arg9[%parallel_loop3A_126, %parallel_loop3A_127] {strides = array<i32>} : memref<16x1024xf32, #tpu.memory_space<vmem>>, vector<16xf32>,
      tpu.vector_store %arg9[%parallel_loop3A_126, %parallel_loop3A_127], %parallel_loop3A_125 {strides = array<i32>} : memref<16x1024xf32, #tpu.memory_space<vmem>>, vector<16xf32>,
    } {sc.loop_unroll_factor = 8 : i64, sc.parallel_access}
    %dma_wait3A_67 = arith.constant 0 : i32
    %dma_wait3A_68 = tpu.memref_slice %arg3[%add3A_15, %dma_wait3A_67] : memref<64x16384xf32, #tpu.memory_space<hbm>> -> memref<1x16384xf32, #tpu.memory_space<hbm>>
    %dma_wait3A_69 = tpu.memref_squeeze %dma_wait3A_68 : memref<1x16384xf32, #tpu.memory_space<hbm>> -> memref<16384xf32, #tpu.memory_space<hbm>>
    %dma_wait3A_70 = arith.constant 0 : i32
    %dma_wait3A_71 = tpu.memref_slice %arg3[%add3A_15, %dma_wait3A_70] : memref<64x16384xf32, #tpu.memory_space<hbm>> -> memref<1x16384xf32, #tpu.memory_space<hbm>>
    %dma_wait3A_72 = tpu.memref_squeeze %dma_wait3A_71 : memref<1x16384xf32, #tpu.memory_space<hbm>> -> memref<16384xf32, #tpu.memory_space<hbm>>
    tpu.wait_dma2 semaphore(%arg16 : memref<!tpu.dma_semaphore, #tpu.memory_space<semaphore_mem>>) src(%dma_wait3A_72 : memref<16384xf32, #tpu.memory_space<hbm>>) dst(%arg12 : memref<16384xf32, #tpu.memory_space<vmem>>)
    %mul3A_73 = arith.constant 32 : i32
    %mul3A_74 = arith.muli %arg0, %mul3A_73 : i32
    %add3A_75 = arith.constant 16 : i32
    %add3A_76 = arith.addi %mul3A_74, %add3A_75 : i32
    %add3A_77 = arith.addi %add3A_76, %arg1 : i32
    "tpu.region"() ({
      %run_scoped3A = tpu.sem_alloc : memref<!tpu.dma_semaphore, #tpu.memory_space<semaphore_mem>>
      %dma_start3A_93 = arith.constant 0 : i32
      %dma_start3A_94 = tpu.memref_slice %arg8[%dma_start3A_93] : memref<50048xf32, #tpu.memory_space<vmem>> -> memref<50048xf32, #tpu.memory_space<vmem>>
      %dma_start3A_95 = arith.constant 0 : i32
      %dma_start3A_96 = tpu.memref_slice %arg4[%add3A_77, %dma_start3A_95] : memref<64x100000xf32, #tpu.memory_space<hbm>> -> memref<1x50048xf32, #tpu.memory_space<hbm>>
      %dma_start3A_97 = tpu.memref_squeeze %dma_start3A_96 : memref<1x50048xf32, #tpu.memory_space<hbm>> -> memref<50048xf32, #tpu.memory_space<hbm>>
      %dma_start3A_98 = arith.constant 0 : i32
      %dma_start3A_99 = tpu.memref_slice %arg8[%dma_start3A_98] : memref<50048xf32, #tpu.memory_space<vmem>> -> memref<50048xf32, #tpu.memory_space<vmem>>
      %dma_start3A_100 = arith.constant 0 : i32
      %dma_start3A_101 = tpu.memref_slice %arg4[%add3A_77, %dma_start3A_100] : memref<64x100000xf32, #tpu.memory_space<hbm>> -> memref<1x50048xf32, #tpu.memory_space<hbm>>
      %dma_start3A_102 = tpu.memref_squeeze %dma_start3A_101 : memref<1x50048xf32, #tpu.memory_space<hbm>> -> memref<50048xf32, #tpu.memory_space<hbm>>
      tpu.enqueue_dma source(%dma_start3A_102 : memref<50048xf32, #tpu.memory_space<hbm>>) target(%dma_start3A_99 : memref<50048xf32, #tpu.memory_space<vmem>>) target_semaphore(%run_scoped3A : memref<!tpu.dma_semaphore, #tpu.memory_space<semaphore_mem>>)
      %dma_wait3A_103 = arith.constant 0 : i32
      %dma_wait3A_104 = tpu.memref_slice %arg8[%dma_wait3A_103] : memref<50048xf32, #tpu.memory_space<vmem>> -> memref<50048xf32, #tpu.memory_space<vmem>>
      %dma_wait3A_105 = arith.constant 0 : i32
      %dma_wait3A_106 = tpu.memref_slice %arg4[%add3A_77, %dma_wait3A_105] : memref<64x100000xf32, #tpu.memory_space<hbm>> -> memref<1x50048xf32, #tpu.memory_space<hbm>>
      %dma_wait3A_107 = tpu.memref_squeeze %dma_wait3A_106 : memref<1x50048xf32, #tpu.memory_space<hbm>> -> memref<50048xf32, #tpu.memory_space<hbm>>
      %dma_wait3A_108 = arith.constant 0 : i32
      %dma_wait3A_109 = tpu.memref_slice %arg8[%dma_wait3A_108] : memref<50048xf32, #tpu.memory_space<vmem>> -> memref<50048xf32, #tpu.memory_space<vmem>>
      %dma_wait3A_110 = arith.constant 0 : i32
      %dma_wait3A_111 = tpu.memref_slice %arg4[%add3A_77, %dma_wait3A_110] : memref<64x100000xf32, #tpu.memory_space<hbm>> -> memref<1x50048xf32, #tpu.memory_space<hbm>>
      %dma_wait3A_112 = tpu.memref_squeeze %dma_wait3A_111 : memref<1x50048xf32, #tpu.memory_space<hbm>> -> memref<50048xf32, #tpu.memory_space<hbm>>
      tpu.wait_dma2 semaphore(%run_scoped3A : memref<!tpu.dma_semaphore, #tpu.memory_space<semaphore_mem>>) src(%dma_wait3A_112 : memref<50048xf32, #tpu.memory_space<hbm>>) dst(%dma_wait3A_109 : memref<50048xf32, #tpu.memory_space<vmem>>)
      tpu.yield
    }) : () -> ()
    %parallel_loop3A_78 = arith.constant 0 : i32
    %parallel_loop3A_79 = arith.constant 1024 : i32
    %parallel_loop3A_80 = arith.constant 1 : i32
    scf.for %parallel_loop3A_93 = %parallel_loop3A_78 to %parallel_loop3A_79 step %parallel_loop3A_80  : i32 {
      %parallel_loop3A_94 = arith.constant 16 : i32
      %parallel_loop3A_95 = arith.muli %parallel_loop3A_93, %parallel_loop3A_94 : i32
      %parallel_loop3A_96 = arith.index_cast %parallel_loop3A_95 : i32 to index
      %parallel_loop3A_97 = tpu.vector_load %arg10[%parallel_loop3A_96] {strides = array<i32>} : memref<16384xi32, #tpu.memory_space<vmem>>, vector<16xi32>,
      %parallel_loop3A_98 = arith.constant 0 : i32
      %parallel_loop3A_99 = vector.broadcast %parallel_loop3A_98 : i32 to vector<16xi32>
      %parallel_loop3A_100 = arith.subi %parallel_loop3A_97, %parallel_loop3A_99 : vector<16xi32>
      %parallel_loop3A_101 = arith.constant 0 : i32
      %parallel_loop3A_102 = vector.broadcast %parallel_loop3A_101 : i32 to vector<16xi32>
      %parallel_loop3A_103 = arith.cmpi sge, %parallel_loop3A_100, %parallel_loop3A_102 : vector<16xi32>
      %parallel_loop3A_104 = arith.constant 50048 : i32
      %parallel_loop3A_105 = vector.broadcast %parallel_loop3A_104 : i32 to vector<16xi32>
      %parallel_loop3A_106 = arith.cmpi slt, %parallel_loop3A_100, %parallel_loop3A_105 : vector<16xi32>
      %parallel_loop3A_107 = arith.andi %parallel_loop3A_103, %parallel_loop3A_106 : vector<16xi1>
      %parallel_loop3A_108 = tpu.vector_load_idx %arg8[%parallel_loop3A_100] masked %parallel_loop3A_107 : memref<50048xf32, #tpu.memory_space<vmem>>[vector<16xi32>], vector<16xf32>, vector<16xi1>
      %parallel_loop3A_109 = arith.constant 16 : i32
      %parallel_loop3A_110 = arith.muli %parallel_loop3A_93, %parallel_loop3A_109 : i32
      %parallel_loop3A_111 = arith.index_cast %parallel_loop3A_110 : i32 to index
      %parallel_loop3A_112 = tpu.vector_load %arg12[%parallel_loop3A_111] {strides = array<i32>} : memref<16384xf32, #tpu.memory_space<vmem>>, vector<16xf32>,
      %parallel_loop3A_113 = arith.subf %parallel_loop3A_112, %parallel_loop3A_108 : vector<16xf32>
      %parallel_loop3A_114 = arith.mulf %parallel_loop3A_113, %parallel_loop3A_113 : vector<16xf32>
      %parallel_loop3A_115 = arith.select %parallel_loop3A_107, %parallel_loop3A_114, %broadcast_in_dim3A_24 : vector<16xi1>, vector<16xf32>
      %parallel_loop3A_116 = arith.constant 6 : i32
      %parallel_loop3A_117 = arith.shrsi %parallel_loop3A_93, %parallel_loop3A_116 : i32
      %parallel_loop3A_118 = arith.constant 63 : i32
      %parallel_loop3A_119 = arith.andi %parallel_loop3A_93, %parallel_loop3A_118 : i32
      %parallel_loop3A_120 = arith.constant 16 : i32
      %parallel_loop3A_121 = arith.muli %parallel_loop3A_119, %parallel_loop3A_120 : i32
      %parallel_loop3A_122 = arith.index_cast %parallel_loop3A_117 : i32 to index
      %parallel_loop3A_123 = arith.index_cast %parallel_loop3A_121 : i32 to index
      %parallel_loop3A_124 = tpu.vector_load %arg9[%parallel_loop3A_122, %parallel_loop3A_123] {strides = array<i32>} : memref<16x1024xf32, #tpu.memory_space<vmem>>, vector<16xf32>,
      %parallel_loop3A_125 = arith.addf %parallel_loop3A_124, %parallel_loop3A_115 : vector<16xf32>
      %parallel_loop3A_126 = arith.index_cast %parallel_loop3A_117 : i32 to index
      %parallel_loop3A_127 = arith.index_cast %parallel_loop3A_121 : i32 to index
      %parallel_loop3A_128 = tpu.vector_load %arg9[%parallel_loop3A_126, %parallel_loop3A_127] {strides = array<i32>} : memref<16x1024xf32, #tpu.memory_space<vmem>>, vector<16xf32>,
      tpu.vector_store %arg9[%parallel_loop3A_126, %parallel_loop3A_127], %parallel_loop3A_125 {strides = array<i32>} : memref<16x1024xf32, #tpu.memory_space<vmem>>, vector<16xf32>,
    } {sc.loop_unroll_factor = 8 : i64, sc.parallel_access}
    %mul3A_81 = arith.constant 32 : i32
    %mul3A_82 = arith.muli %arg0, %mul3A_81 : i32
    %add3A_83 = arith.constant 16 : i32
    %add3A_84 = arith.addi %mul3A_82, %add3A_83 : i32
    %add3A_85 = arith.addi %add3A_84, %arg1 : i32
    "tpu.region"() ({
      %run_scoped3A = tpu.sem_alloc : memref<!tpu.dma_semaphore, #tpu.memory_space<semaphore_mem>>
      %dma_start3A_93 = arith.constant 0 : i32
      %dma_start3A_94 = tpu.memref_slice %arg8[%dma_start3A_93] : memref<50048xf32, #tpu.memory_space<vmem>> -> memref<49920xf32, #tpu.memory_space<vmem>>
      %dma_start3A_95 = arith.constant 50048 : i32
      %dma_start3A_96 = tpu.memref_slice %arg4[%add3A_85, %dma_start3A_95] : memref<64x100000xf32, #tpu.memory_space<hbm>> -> memref<1x49920xf32, #tpu.memory_space<hbm>>
      %dma_start3A_97 = tpu.memref_squeeze %dma_start3A_96 : memref<1x49920xf32, #tpu.memory_space<hbm>> -> memref<49920xf32, #tpu.memory_space<hbm>>
      %dma_start3A_98 = arith.constant 0 : i32
      %dma_start3A_99 = tpu.memref_slice %arg8[%dma_start3A_98] : memref<50048xf32, #tpu.memory_space<vmem>> -> memref<49920xf32, #tpu.memory_space<vmem>>
      %dma_start3A_100 = arith.constant 50048 : i32
      %dma_start3A_101 = tpu.memref_slice %arg4[%add3A_85, %dma_start3A_100] : memref<64x100000xf32, #tpu.memory_space<hbm>> -> memref<1x49920xf32, #tpu.memory_space<hbm>>
      %dma_start3A_102 = tpu.memref_squeeze %dma_start3A_101 : memref<1x49920xf32, #tpu.memory_space<hbm>> -> memref<49920xf32, #tpu.memory_space<hbm>>
      tpu.enqueue_dma source(%dma_start3A_102 : memref<49920xf32, #tpu.memory_space<hbm>>) target(%dma_start3A_99 : memref<49920xf32, #tpu.memory_space<vmem>>) target_semaphore(%run_scoped3A : memref<!tpu.dma_semaphore, #tpu.memory_space<semaphore_mem>>)
      %dma_wait3A_103 = arith.constant 0 : i32
      %dma_wait3A_104 = tpu.memref_slice %arg8[%dma_wait3A_103] : memref<50048xf32, #tpu.memory_space<vmem>> -> memref<49920xf32, #tpu.memory_space<vmem>>
      %dma_wait3A_105 = arith.constant 50048 : i32
      %dma_wait3A_106 = tpu.memref_slice %arg4[%add3A_85, %dma_wait3A_105] : memref<64x100000xf32, #tpu.memory_space<hbm>> -> memref<1x49920xf32, #tpu.memory_space<hbm>>
      %dma_wait3A_107 = tpu.memref_squeeze %dma_wait3A_106 : memref<1x49920xf32, #tpu.memory_space<hbm>> -> memref<49920xf32, #tpu.memory_space<hbm>>
      %dma_wait3A_108 = arith.constant 0 : i32
      %dma_wait3A_109 = tpu.memref_slice %arg8[%dma_wait3A_108] : memref<50048xf32, #tpu.memory_space<vmem>> -> memref<49920xf32, #tpu.memory_space<vmem>>
      %dma_wait3A_110 = arith.constant 50048 : i32
      %dma_wait3A_111 = tpu.memref_slice %arg4[%add3A_85, %dma_wait3A_110] : memref<64x100000xf32, #tpu.memory_space<hbm>> -> memref<1x49920xf32, #tpu.memory_space<hbm>>
      %dma_wait3A_112 = tpu.memref_squeeze %dma_wait3A_111 : memref<1x49920xf32, #tpu.memory_space<hbm>> -> memref<49920xf32, #tpu.memory_space<hbm>>
      tpu.wait_dma2 semaphore(%run_scoped3A : memref<!tpu.dma_semaphore, #tpu.memory_space<semaphore_mem>>) src(%dma_wait3A_112 : memref<49920xf32, #tpu.memory_space<hbm>>) dst(%dma_wait3A_109 : memref<49920xf32, #tpu.memory_space<vmem>>)
      tpu.yield
    }) : () -> ()
    "tpu.region"() ({
      %run_scoped3A = tpu.sem_alloc : memref<!tpu.dma_semaphore, #tpu.memory_space<semaphore_mem>>
      %dma_start3A_93 = arith.constant 49920 : i32
      %dma_start3A_94 = tpu.memref_slice %arg8[%dma_start3A_93] : memref<50048xf32, #tpu.memory_space<vmem>> -> memref<128xf32, #tpu.memory_space<vmem>>
      %dma_start3A_95 = arith.constant 0 : i32
      %dma_start3A_96 = tpu.memref_slice %arg5[%add3A_85, %dma_start3A_95] : memref<64x128xf32, #tpu.memory_space<hbm>> -> memref<1x128xf32, #tpu.memory_space<hbm>>
      %dma_start3A_97 = tpu.memref_squeeze %dma_start3A_96 : memref<1x128xf32, #tpu.memory_space<hbm>> -> memref<128xf32, #tpu.memory_space<hbm>>
      %dma_start3A_98 = arith.constant 49920 : i32
      %dma_start3A_99 = tpu.memref_slice %arg8[%dma_start3A_98] : memref<50048xf32, #tpu.memory_space<vmem>> -> memref<128xf32, #tpu.memory_space<vmem>>
      %dma_start3A_100 = arith.constant 0 : i32
      %dma_start3A_101 = tpu.memref_slice %arg5[%add3A_85, %dma_start3A_100] : memref<64x128xf32, #tpu.memory_space<hbm>> -> memref<1x128xf32, #tpu.memory_space<hbm>>
      %dma_start3A_102 = tpu.memref_squeeze %dma_start3A_101 : memref<1x128xf32, #tpu.memory_space<hbm>> -> memref<128xf32, #tpu.memory_space<hbm>>
      tpu.enqueue_dma source(%dma_start3A_102 : memref<128xf32, #tpu.memory_space<hbm>>) target(%dma_start3A_99 : memref<128xf32, #tpu.memory_space<vmem>>) target_semaphore(%run_scoped3A : memref<!tpu.dma_semaphore, #tpu.memory_space<semaphore_mem>>)
      %dma_wait3A_103 = arith.constant 49920 : i32
      %dma_wait3A_104 = tpu.memref_slice %arg8[%dma_wait3A_103] : memref<50048xf32, #tpu.memory_space<vmem>> -> memref<128xf32, #tpu.memory_space<vmem>>
      %dma_wait3A_105 = arith.constant 0 : i32
      %dma_wait3A_106 = tpu.memref_slice %arg5[%add3A_85, %dma_wait3A_105] : memref<64x128xf32, #tpu.memory_space<hbm>> -> memref<1x128xf32, #tpu.memory_space<hbm>>
      %dma_wait3A_107 = tpu.memref_squeeze %dma_wait3A_106 : memref<1x128xf32, #tpu.memory_space<hbm>> -> memref<128xf32, #tpu.memory_space<hbm>>
      %dma_wait3A_108 = arith.constant 49920 : i32
      %dma_wait3A_109 = tpu.memref_slice %arg8[%dma_wait3A_108] : memref<50048xf32, #tpu.memory_space<vmem>> -> memref<128xf32, #tpu.memory_space<vmem>>
      %dma_wait3A_110 = arith.constant 0 : i32
      %dma_wait3A_111 = tpu.memref_slice %arg5[%add3A_85, %dma_wait3A_110] : memref<64x128xf32, #tpu.memory_space<hbm>> -> memref<1x128xf32, #tpu.memory_space<hbm>>
      %dma_wait3A_112 = tpu.memref_squeeze %dma_wait3A_111 : memref<1x128xf32, #tpu.memory_space<hbm>> -> memref<128xf32, #tpu.memory_space<hbm>>
      tpu.wait_dma2 semaphore(%run_scoped3A : memref<!tpu.dma_semaphore, #tpu.memory_space<semaphore_mem>>) src(%dma_wait3A_112 : memref<128xf32, #tpu.memory_space<hbm>>) dst(%dma_wait3A_109 : memref<128xf32, #tpu.memory_space<vmem>>)
      tpu.yield
    }) : () -> ()
    %parallel_loop3A_86 = arith.constant 0 : i32
    %parallel_loop3A_87 = arith.constant 1024 : i32
    %parallel_loop3A_88 = arith.constant 1 : i32
    scf.for %parallel_loop3A_93 = %parallel_loop3A_86 to %parallel_loop3A_87 step %parallel_loop3A_88  : i32 {
      %parallel_loop3A_94 = arith.constant 16 : i32
      %parallel_loop3A_95 = arith.muli %parallel_loop3A_93, %parallel_loop3A_94 : i32
      %parallel_loop3A_96 = arith.index_cast %parallel_loop3A_95 : i32 to index
      %parallel_loop3A_97 = tpu.vector_load %arg10[%parallel_loop3A_96] {strides = array<i32>} : memref<16384xi32, #tpu.memory_space<vmem>>, vector<16xi32>,
      %parallel_loop3A_98 = arith.constant 50048 : i32
      %parallel_loop3A_99 = vector.broadcast %parallel_loop3A_98 : i32 to vector<16xi32>
      %parallel_loop3A_100 = arith.subi %parallel_loop3A_97, %parallel_loop3A_99 : vector<16xi32>
      %parallel_loop3A_101 = arith.constant 0 : i32
      %parallel_loop3A_102 = vector.broadcast %parallel_loop3A_101 : i32 to vector<16xi32>
      %parallel_loop3A_103 = arith.cmpi sge, %parallel_loop3A_100, %parallel_loop3A_102 : vector<16xi32>
      %parallel_loop3A_104 = arith.constant 49952 : i32
      %parallel_loop3A_105 = vector.broadcast %parallel_loop3A_104 : i32 to vector<16xi32>
      %parallel_loop3A_106 = arith.cmpi slt, %parallel_loop3A_100, %parallel_loop3A_105 : vector<16xi32>
      %parallel_loop3A_107 = arith.andi %parallel_loop3A_103, %parallel_loop3A_106 : vector<16xi1>
      %parallel_loop3A_108 = tpu.vector_load_idx %arg8[%parallel_loop3A_100] masked %parallel_loop3A_107 : memref<50048xf32, #tpu.memory_space<vmem>>[vector<16xi32>], vector<16xf32>, vector<16xi1>
      %parallel_loop3A_109 = arith.constant 16 : i32
      %parallel_loop3A_110 = arith.muli %parallel_loop3A_93, %parallel_loop3A_109 : i32
      %parallel_loop3A_111 = arith.index_cast %parallel_loop3A_110 : i32 to index
      %parallel_loop3A_112 = tpu.vector_load %arg12[%parallel_loop3A_111] {strides = array<i32>} : memref<16384xf32, #tpu.memory_space<vmem>>, vector<16xf32>,
      %parallel_loop3A_113 = arith.subf %parallel_loop3A_112, %parallel_loop3A_108 : vector<16xf32>
      %parallel_loop3A_114 = arith.mulf %parallel_loop3A_113, %parallel_loop3A_113 : vector<16xf32>
      %parallel_loop3A_115 = arith.select %parallel_loop3A_107, %parallel_loop3A_114, %broadcast_in_dim3A_24 : vector<16xi1>, vector<16xf32>
      %parallel_loop3A_116 = arith.constant 6 : i32
      %parallel_loop3A_117 = arith.shrsi %parallel_loop3A_93, %parallel_loop3A_116 : i32
      %parallel_loop3A_118 = arith.constant 63 : i32
      %parallel_loop3A_119 = arith.andi %parallel_loop3A_93, %parallel_loop3A_118 : i32
      %parallel_loop3A_120 = arith.constant 16 : i32
      %parallel_loop3A_121 = arith.muli %parallel_loop3A_119, %parallel_loop3A_120 : i32
      %parallel_loop3A_122 = arith.index_cast %parallel_loop3A_117 : i32 to index
      %parallel_loop3A_123 = arith.index_cast %parallel_loop3A_121 : i32 to index
      %parallel_loop3A_124 = tpu.vector_load %arg9[%parallel_loop3A_122, %parallel_loop3A_123] {strides = array<i32>} : memref<16x1024xf32, #tpu.memory_space<vmem>>, vector<16xf32>,
      %parallel_loop3A_125 = arith.addf %parallel_loop3A_124, %parallel_loop3A_115 : vector<16xf32>
      %parallel_loop3A_126 = arith.index_cast %parallel_loop3A_117 : i32 to index
      %parallel_loop3A_127 = arith.index_cast %parallel_loop3A_121 : i32 to index
      %parallel_loop3A_128 = tpu.vector_load %arg9[%parallel_loop3A_126, %parallel_loop3A_127] {strides = array<i32>} : memref<16x1024xf32, #tpu.memory_space<vmem>>, vector<16xf32>,
      tpu.vector_store %arg9[%parallel_loop3A_126, %parallel_loop3A_127], %parallel_loop3A_125 {strides = array<i32>} : memref<16x1024xf32, #tpu.memory_space<vmem>>, vector<16xf32>,
    } {sc.loop_unroll_factor = 8 : i64, sc.parallel_access}
    %dma_wait3A_89 = tpu.memref_slice %arg7[%mul3A_43] : memref<16384xf32, #tpu.memory_space<hbm>> -> memref<512xf32, #tpu.memory_space<hbm>>
    %dma_wait3A_90 = tpu.memref_slice %arg7[%mul3A_43] : memref<16384xf32, #tpu.memory_space<hbm>> -> memref<512xf32, #tpu.memory_space<hbm>>
    tpu.wait_dma2 semaphore(%arg14 : memref<!tpu.dma_semaphore, #tpu.memory_space<semaphore_mem>>) src(%arg13 : memref<512xf32, #tpu.memory_space<vmem>>) dst(%dma_wait3A_90 : memref<512xf32, #tpu.memory_space<hbm>>)
    %mul3A_91 = arith.constant 16 : i32
    %mul3A_92 = arith.muli %add3A, %mul3A_91 : i32
    "tpu.region"() ({
      %run_scoped3A = tpu.sem_alloc : memref<!tpu.dma_semaphore, #tpu.memory_space<semaphore_mem>>
      %dma_start3A_93 = arith.constant 0 : i32
      %dma_start3A_94 = tpu.memref_slice %arg6[%mul3A_92, %dma_start3A_93] : memref<512x1024xf32, #tpu.memory_space<hbm>> -> memref<16x1024xf32, #tpu.memory_space<hbm>>
      %dma_start3A_95 = arith.constant 0 : i32
      %dma_start3A_96 = tpu.memref_slice %arg6[%mul3A_92, %dma_start3A_95] : memref<512x1024xf32, #tpu.memory_space<hbm>> -> memref<16x1024xf32, #tpu.memory_space<hbm>>
      tpu.enqueue_dma source(%arg9 : memref<16x1024xf32, #tpu.memory_space<vmem>>) target(%dma_start3A_96 : memref<16x1024xf32, #tpu.memory_space<hbm>>) target_semaphore(%run_scoped3A : memref<!tpu.dma_semaphore, #tpu.memory_space<semaphore_mem>>)
      %dma_wait3A_97 = arith.constant 0 : i32
      %dma_wait3A_98 = tpu.memref_slice %arg6[%mul3A_92, %dma_wait3A_97] : memref<512x1024xf32, #tpu.memory_space<hbm>> -> memref<16x1024xf32, #tpu.memory_space<hbm>>
      %dma_wait3A_99 = arith.constant 0 : i32
      %dma_wait3A_100 = tpu.memref_slice %arg6[%mul3A_92, %dma_wait3A_99] : memref<512x1024xf32, #tpu.memory_space<hbm>> -> memref<16x1024xf32, #tpu.memory_space<hbm>>
      tpu.wait_dma2 semaphore(%run_scoped3A : memref<!tpu.dma_semaphore, #tpu.memory_space<semaphore_mem>>) src(%arg9 : memref<16x1024xf32, #tpu.memory_space<vmem>>) dst(%dma_wait3A_100 : memref<16x1024xf32, #tpu.memory_space<hbm>>)
      tpu.yield
    }) : () -> ()
    return
  }
}

</mosaic_0001>

<sc_bundles>
// kernel: _sc_stage.3.cloned.1.call-start
scs
__scs_entry_jumppad:
0x0: {  	(pc) =	sbr.rel $0x88, $3  }
0x1: {  	(tag) =	ssettag $0x0;
	lr =	simm.s32 $0x1  }
0x2: {  	[smem:$0x3F9D] =	sst lr;
	_ =	strace $0xD0000000  }
0x3: {  	_ = 	snop  }
0x4: {  	_ = 	snop  }
0x5: {  	_ = 	snop  }
0x6: {  	_ = 	snop  }
0x7: {  	_ = 	snop  }
__scs_overlays_trampoline_lowered:
0x8: {  	[smem:$0x3FAC] =	sst s0  }
0x9: {  	[smem:$0x3FAD] =	sst s1  }
0xa: {  	[smem:$0x3FAE] =	sst s2  }
0xb: {  	[smem:$0x3FAF] =	sst s3  }
0xc: {  	[smem:$0x3FB0] =	sst s4  }
0xd: {  	[smem:$0x3FB1] =	sst s5  }
0xe: {  	[smem:$0x3FB2] =	sst s6  }
0xf: {  	[smem:$0x3FB3] =	sst s7  }
0x10: {  	[smem:$0x3FB4] =	sst s8  }
0x11: {  	[smem:$0x3FB5] =	sst s9;
	s0 =	simm.s32 @!p0 $0x0  }
0x12: {  	s1 =	sld [smem:$0x3F9B];
	s0 =	simm.s32 @p0 $0x1  }
0x13: {  	[smem:$0x3FB6] =	sst s0;
	s0 =	simm.s32 @!p1 $0x0  }
0x14: {  	s2 =	sld [smem:$0x3F9A];
	s0 =	simm.s32 @p1 $0x1  }
0x15: {  	[smem:$0x3FB7] =	sst s0;
	s0 =	simm.s32 @!p2 $0x0  }
0x16: {  	s3 =	sld [smem:$0x3FDB];
	s0 =	simm.s32 @p2 $0x1  }
0x17: {  	s4 =	simm.s32 $0x1BF5;
	[smem:$0x3FB9] =	sst s0  }
0x18: {  	s0 =	sld [smem:$0x3F9C];
	_ =	swait.ge [sflag:s4], $0x0  }
0x19: {  	s7 =	sld [smem:$0x3F9D]  }
0x1a: {  	s8 =	sadd.s32 $0xFFFFE003, lr  }
0x1b: {  	s9 =	sadd.s32 $0xFFFFFEF7, lr;
	s5 =	simm.s32 $0xFFFFFFFF;
	p2 =	slt.u32 s8, $0xFFFFF086  }
0x1c: {  	p1 =	slt.u32 s9, $0xF7A;
	s5 =	simm.s32 @!p2 $0x0  }
0x1d: {  	s5 =	simm.s32 @p1 $0x1;
	p0 =	seq.s32 s7, s2  }
0x1e: {  	s7 =	smul.u32 @!p0 $0xF7A, s2;
	p2 =	seq.s32 @!p0 s5, $0x0  }
0x1f: {  	s9 =	smul.u32 $0xF7A, s1;
	s8 =	simm.s32 @!p0 $0x1BF5;
	p2 =	por !p2, p0  }
0x20: {  	[sflag:s8] =	ssyncset.s32 @!p0 $0xFFFFF086;
	s6 =	sadd.s32 @!p0 s3, s7;
	s7 =	simm.s32 @!p0 $0x108  }
0x21: {  	s3 =	sadd.s32 s3, s9;
	s6 =	sadd.s32 @!p0 $0x88, s6;
	s7 =	simm.s32 @p2 $0x1082  }
0x22: {  	[simem:s7], [sflag:s8] =	dma.local @!p0 [hbm:s6], $0xF7A  }
0x23: {  	s9 =	sor.u32 $0xD0000000, s2;
	s6 =	simm.s32 $0x108;
	_ =	swait.ge @!p0 [sflag:s8], $0x0  }
0x24: {  	s3 =	sadd.s32 $0x88, s3;
	s6 =	simm.s32 @!p1 $0x1082;
	[sflag:s4] =	ssyncset.s32 $0xFFFFF086  }
0x25: {  	[simem:s6], [sflag:s4] =	dma.local [hbm:s3], $0xF7A  }
0x26: {  	[smem:$0x3F9D] =	sst s1;
	(tag) =	ssettag s2;
	_ =	strace s9  }
0x27: {  	s1 =	sld [smem:$0x3FAD]  }
0x28: {  	s2 =	sld [smem:$0x3FAE]  }
0x29: {  	s4 =	sld [smem:$0x3FB0]  }
0x2a: {  	p0 =	seq.s32 s5, $0x0;
	s5 =	sld [smem:$0x3FB1]  }
0x2b: {  	s6 =	sld [smem:$0x3FB2]  }
0x2c: {  	s7 =	sld [smem:$0x3FB3]  }
0x2d: {  	s3 =	simm.s32 $0x108;
	s8 =	sld [smem:$0x3FB4]  }
0x2e: {  	s3 =	simm.s32 @!p0 $0x1082;
	s9 =	sld [smem:$0x3FB5]  }
0x2f: {  	lr =	sadd.s32 s0, s3;
	s0 =	sld [smem:$0x3FAC]  }
0x30: {  	s3 =	sld [smem:$0x3FAF]  }
0x31: {  	[smem:$0x3FB8] =	sst s10  }
0x32: {  	s10 =	sld [smem:$0x3FB6];
	_ =	sdelay $0x3  }
0x33: {  	p0 =	seq.s32 s10, $0x1;
	s10 =	sld [smem:$0x3FB8];
	_ =	sdelay $0x3  }
0x34: {  	[smem:$0x3FB8] =	sst s10  }
0x35: {  	s10 =	sld [smem:$0x3FB7];
	_ =	sdelay $0x3  }
0x36: {  	p1 =	seq.s32 s10, $0x1;
	s10 =	sld [smem:$0x3FB8];
	_ =	sdelay $0x3  }
0x37: {  	[smem:$0x3FB8] =	sst s10  }
0x38: {  	s10 =	sld [smem:$0x3FB9]  }
0x39: {  	_ = 	snop;
	(pc) =	sbr.ind lr, $3  }
0x3a: {  	_ = 	snop  }
0x3b: {  	_ = 	snop  }
0x3c: {  	p2 =	seq.s32 s10, $0x1;
	s10 =	sld [smem:$0x3FB8]  }
0x3d: {  	_ =	shalt  }
0x3e: {  	_ =	shalt  }
0x3f: {  	_ =	shalt  }
0x40: {  	_ =	shalt  }
0x41: {  	_ =	shalt  }
0x42: {  	_ =	shalt  }
0x43: {  	_ =	shalt  }
0x44: {  	_ =	shalt  }
0x45: {  	_ =	shalt  }
0x46: {  	_ =	shalt  }
0x47: {  	_ =	shalt  }
0x48: {  	_ =	shalt  }
0x49: {  	_ =	shalt  }
0x4a: {  	_ =	shalt  }
0x4b: {  	_ =	shalt  }
0x4c: {  	_ =	shalt  }
0x4d: {  	_ =	shalt  }
0x4e: {  	_ =	shalt  }
0x4f: {  	_ =	shalt  }
0x50: {  	_ =	shalt  }
0x51: {  	_ =	shalt  }
0x52: {  	_ =	shalt  }
0x53: {  	_ =	shalt  }
0x54: {  	_ =	shalt  }
0x55: {  	_ =	shalt  }
0x56: {  	_ =	shalt  }
0x57: {  	_ =	shalt  }
0x58: {  	_ =	shalt  }
0x59: {  	_ =	shalt  }
0x5a: {  	_ =	shalt  }
0x5b: {  	_ =	shalt  }
0x5c: {  	_ =	shalt  }
0x5d: {  	_ =	shalt  }
0x5e: {  	_ =	shalt  }
0x5f: {  	_ =	shalt  }
0x60: {  	_ =	shalt  }
0x61: {  	_ =	shalt  }
0x62: {  	_ =	shalt  }
0x63: {  	_ =	shalt  }
0x64: {  	_ =	shalt  }
0x65: {  	_ =	shalt  }
0x66: {  	_ =	shalt  }
0x67: {  	_ =	shalt  }
0x68: {  	_ =	shalt  }
0x69: {  	_ =	shalt  }
0x6a: {  	_ =	shalt  }
0x6b: {  	_ =	shalt  }
0x6c: {  	_ =	shalt  }
0x6d: {  	_ =	shalt  }
0x6e: {  	_ =	shalt  }
0x6f: {  	_ =	shalt  }
0x70: {  	_ =	shalt  }
0x71: {  	_ =	shalt  }
0x72: {  	_ =	shalt  }
0x73: {  	_ =	shalt  }
0x74: {  	_ =	shalt  }
0x75: {  	_ =	shalt  }
0x76: {  	_ =	shalt  }
0x77: {  	_ =	shalt  }
0x78: {  	_ =	shalt  }
0x79: {  	_ =	shalt  }
0x7a: {  	_ =	shalt  }
0x7b: {  	_ =	shalt  }
0x7c: {  	_ =	shalt  }
0x7d: {  	_ =	shalt  }
0x7e: {  	_ =	shalt  }
0x7f: {  	_ =	shalt  }
0x80: {  	_ =	shalt  }
0x81: {  	_ =	shalt  }
0x82: {  	_ =	shalt  }
0x83: {  	_ =	shalt  }
0x84: {  	_ =	shalt  }
0x85: {  	_ =	shalt  }
0x86: {  	_ =	shalt  }
0x87: {  	_ =	shalt  }
.Lfunc_end0:
.L_simem_size_0:
called_computation_lowered:
.L_overlay_start_0:
0x88: {  	s2 =	sld [smem:$0x3FD9]  }
0x89: {  	s3 =	sld [smem:$0x3FFE];
	_ =	sdelay $0x1  }
0x8a: {  	s1 =	srdreg.scid  }
0x8b: {  	s0 =	sand.u32 $0x1, s1  }
0x8c: {  	s15 =	sshll.u32 s0, $0xA;
	s2 =	sadd.s32 s3, s2  }
0x8d: {  	s2 =	sadd.s32 s2, s15  }
0x8e: {  	[smem:$0x3FC4] =	sst s2  }
0x8f: {  	_ = 	snop  }
0x90: {  	s2 =	sld [smem:$0x3FC9]  }
0x91: {  	s16 =	sld [smem:$0x3FD0]  }
0x92: {  	s4 =	sld [smem:$0x3FC8]  }
0x93: {  	s5 =	sld [smem:$0x3FC7]  }
0x94: {  	s7 =	simm.s32 $0xA;
	s8 =	simm.s32 $0x10;
	s6 =	sld [smem:$0x3FC6]  }
0x95: {  	[smem:s8], [sflag:s7] =	dma.local [hbm:s16], $0x1  }
0x96: {  	_ =	swait.eq [sflag:s7], $0x1  }
0x97: {  	[sflag:s7] =	ssyncset.done $0x0  }
0x98: {  	s17 =	sld [smem:$0x10];
	[sflag:s7] =	ssyncadd.s32 $0xFFFFFFFF  }
0x99: {  	s18 =	sld [smem:$0x11];
	(tm) =	ssettm $0x1  }
0x9a: {  	s19 =	sld [smem:$0x3FFB];
	_ =	sdelay $0x3  }
0x9b: {  	_ =	strace s19  }
0x9c: {  	s8 =	sld [smem:$0x3FFC];
	_ =	sdelay $0x3  }
0x9d: {  	_ =	strace s8  }
0x9e: {  	s8 =	sld [smem:$0x3FFD];
	_ =	sdelay $0x3  }
0x9f: {  	_ =	strace s8  }
0xa0: {  	_ =	strace $0x8FFFFFFF  }
0xa1: {  	s20 =	sld [smem:$0x3FDB];
	_ =	sdelay $0x1  }
0xa2: {  	s9 =	simm.s32 $_scs_section_size  }
0xa3: {  	s10 =	simm.s32 $_size__tile_overlayer_lowered;
	s11 =	simm.s32 $_tile_overlayer_lowered  }
0xa4: {  	s23 =	simm.s32 $0x1BFF;
	s22 =	sshll.u32 s11, $0x1;
	s8 =	sadd.s32 s9, s20  }
0xa5: {  	s12 =	simm.s32 $0x0;
	s21 =	sshll.u32 s10, $0x1;
	s10 =	sadd.s32 s22, s8  }
0xa6: {  	[timem:s12], [sflag:s23] =	dma.local [hbm:s10], s21  }
0xa7: {  	_ =	swait.ge [sflag:s23], s21  }
0xa8: {  	s9 =	ssub.s32 $0x0, s21;
	[sflag:s23] =	ssyncset.done $0x0  }
0xa9: {  	[sflag:s23] =	ssyncadd.s32 s9;
	_ =	sdelay $0x1  }
0xaa: {  	s24 =	simm.s32 $0x1B8B  }
0xab: {  	_ =	swait.ge [sflag:s24], $0x1  }
0xac: {  	[sflag:s24] =	ssyncset.done $0x0  }
0xad: {  	s25 =	simm.s32 $0x1B8E;
	[sflag:s24] =	ssyncadd.s32 $0xFFFFFFFF  }
0xae: {  	s26 =	simm.s32 $execute0_lowered;
	[smem:$0x3FD2] =	sst s25  }
0xaf: {  	s9 =	sshll.u32 s26, $0x1;
	_ =	strace $0x80000046;
	[dreg:$0x1] =	wrdreg $0xFFFFFFFF  }
0xb0: {  	s28 =	simm.s32 $_size_execute0_lowered;
	s8 =	sadd.s32 s8, s9;
	[dreg:$0x0] =	wrdreg $0x0  }
0xb1: {  	s9 =	sshll.u32 s28, $0x1;
	[dreg:$0x2] =	wrdreg s8  }
0xb2: {  	[dreg:$0x3] =	wrdreg s9  }
0xb3: {  	[dreg:$0x4] =	wrdreg $0xC0  }
0xb4: {  	_ =	task [dreg:s12], $0x5FFFF  }
0xb5: {  	[dreg:$0x1] =	wrdreg $0xFFFFFFFF  }
0xb6: {  	[dreg:$0x0] =	wrdreg $0x60  }
0xb7: {  	[dreg:$0x2] =	wrdreg s2  }
0xb8: {  	[dreg:$0x3] =	wrdreg s4  }
0xb9: {  	[dreg:$0x4] =	wrdreg s5  }
0xba: {  	[dreg:$0x5] =	wrdreg s6  }
0xbb: {  	[dreg:$0x6] =	wrdreg s17  }
0xbc: {  	[dreg:$0x7] =	wrdreg s18  }
0xbd: {  	[dreg:$0x8] =	wrdreg $0x9  }
0xbe: {  	_ =	task.clear_ibuf [dreg:s12], $0x9FFFF;
	_ =	strace $0x90000046  }
0xbf: {  	s29 =	simm.s32 $0x9;
	_ =	strace $0x80000048  }
0xc0: {  	_ =	swait.ge [sflag:s29], $0x1  }
0xc1: {  	[sflag:s29] =	ssyncadd.s32 $0xFFFFFFFF  }
0xc2: {  	_ =	strace $0x90000048  }
0xc3: {  	_ =	sfence  }
0xc4: {  	s30 =	sld [smem:$0x0];
	_ =	sdelay $0x2  }
0xc5: {  	s31 =	sshll.u32 s1, $0xD;
	s1 =	sshrl.u32 s1, $0x2  }
0xc6: {  	s3 =	sand.u32 $0x4000, s31;
	s1 =	sadd.s32 s1, s30  }
0xc7: {  	s0 =	sor.u32 s3, s0;
	s1 =	sshll.u32 s1, $0x11  }
0xc8: {  	s0 =	sor.u32 s1, s0  }
0xc9: {  	s0 =	sadd.s32 $0x8F2B, s0  }
0xca: {  	[sflag:s0] =	ssyncadd.remote.s32 $0x1  }
0xcb: {  	_ =	sfence.sel $0xFFFF  }
0xcc: {  	[dreg:$0x0] =	wrdreg $0xFFFFFFFF;
	(pc) =	sbr.abs _section_cstart, $3  }
0xcd: {  	[dreg:$0x1] =	wrdreg $0xFFFFFFFF  }
0xce: {  	_ =	task.clear_ibuf [dreg:s12], $0x2FFFF;
	_ =	strace $0x9FFFFFFF  }
0xcf: {  	(tm) =	ssettm $0x7FFFFFFF  }
tec
execute0_lowered:
.L_overlay_start_1:
0x0: {  	(tag) =	ssettag $0x1  }
0x1: {  	s0 =	rddreg [dreg:$0x1]  }
0x2: {  	s1 =	rddreg [dreg:$0x2]  }
0x3: {  	s2 =	rddreg [dreg:$0x3]  }
0x4: {  	s13 =	rddreg [dreg:$0x4]  }
0x5: {  	s6 =	rddreg [dreg:$0x5]  }
0x6: {  	s3 =	srdreg.scid;
	s18 =	stileid.u32  }
0x7: {  	s28 =	simm.s32 $0xC380;
	s29 =	simm.s32 $0x0;
	s11 =	sand.u32 $0x1, s3  }
0x8: {  	s3 =	simm.s32 $0x0;
	s16 =	sshll.u32 s18, $0x7;
	s25 =	sshll.u32 s18, $0xB  }
0x9: {  	s4 =	sshll.u32 s11, $0x5;
	[smem:$0x7FF] =	sst s3;
	s5 =	ssub.s32 $0x2, s11  }
0xa: {  	s15 =	sand.u32 $0x380, s16;
	s20 =	sshll.u32 s11, $0x4;
	s11 =	sshll.u32 s11, $0xF  }
0xb: {  	s4 =	sor.u32 s18, s4;
	_ =	strace $0x80000047;
	s7 =	sshrl.u32 s5, $0x1  }
0xc: {  	s26 =	sor.u32 s25, s11;
	s25 =	simm.s32 $0xC300;
	s8 =	sshrl.u32 s4, $0x3  }
0xd: {  	s14 =	ssub.s32 s5, s7;
	s7 =	sor.u32 s18, s20;
	s18 =	simm.s32 $0x400  }
0xe: {  	s12 =	sor.u32 $0x2, s8;
	s17 =	sshll.u32 s8, $0x11;
	s9 =	smul.u32 $0xC3800, s8  }
0xf: {  	s21 =	sshll.u32 s7, $0xB;
	s7 =	sshll.u32 s7, $0x6;
	s8 =	sshll.u32 s8, $0xA  }
0x10: {  	s14 =	smax.u32 s14, $0x1;
	s19 =	sshll.u32 s12, $0x11;
	s4 =	sor.u32 s15, s17  }
0x11: {  	s6 =	sadd.s32 s6, s7;
	s10 =	smul.u32 $0xC3800, s12;
	s16 =	sor.u32 s15, s8  }
0x12: {  	s12 =	sshll.u32 s12, $0xA;
	s13 =	sadd.s32 s13, s21;
	s21 =	simm.s32 $0x1  }
0x13: {  	s5 =	sor.u32 s15, s19;
	s4 =	sshrl.u32 s4, $0x3;
	s9 =	sor.u32 s15, s9  }
0x14: {  	s23 =	sshrl.u32 s16, $0x3;
	s12 =	sor.u32 s15, s12;
	s5 =	sshrl.u32 s5, $0x3  }
0x15: {  	s4 =	sadd.s32 s0, s4;
	s22 =	sshrl.u32 s9, $0x3;
	s9 =	sadd.s32 $0x61C00, s9  }
0x16: {  	s17 =	sor.u32 s15, s10;
	s30 =	sshrl.u32 s12, $0x3;
	s15 =	sor.u32 $0x100, s26  }
0x17: {  	s26 =	simm.s32 $0x3;
	s5 =	sadd.s32 s0, s5;
	s7 =	sadd.s32 s1, s22  }
0x18: {  	s9 =	sshrl.u32 s9, $0x3;
	s10 =	sshrl.u32 s17, $0x3;
	s24 =	sadd.s32 $0x61C00, s17  }
0x19: {  	s12 =	sadd.s32 s2, s30;
	s31 =	sshrl.u32 s15, $0x2;
	s17 =	simm.s32 $0x80  }
0x1a: {  	s22 =	simm.s32 $0x1C380;
	s8 =	sadd.s32 s1, s9;
	s9 =	sadd.s32 s2, s23  }
0x1b: {  	s10 =	sadd.s32 s1, s10;
	s16 =	sshrl.u32 s24, $0x3;
	s15 =	sadd.s32 $0x10380, s31  }
0x1c: {  	v0 =	vimm.f32 $0.0e+00;
	v1 =	vimm.f32 $1.000000000e+00;
	s23 =	simm.s32 $0x2;
	s24 =	simm.s32 $0x4;
	s11 =	sadd.s32 s1, s16  }
.LBB2_1:
0x1d: {  	s0 =	rddreg [dreg:$0x0];
	s1 =	simm.s32 $0x10380  }
0x1e: {  	[tilespmem:s1], [sflag:$0x1] =	stream.linear.gather [hbm4b:s0+s3], $0x4000, $0x38;
	[tilespmem:$0x1C580] =	vst v63  }
0x1f: {  	s30 =	simm.s32 $0x14380  }
0x20: {  	[tilespmem:s30], [sflag:$0x2] =	stream.strided.gather [hbm4b:s4+s17], $0x4000, s18, s17, $0x38;
	[tilespmem:$0x1C580] =	vst v63  }
0x21: {  	s31 =	simm.s32 $0x18380  }
0x22: {  	[tilespmem:s31], [sflag:$0x3] =	stream.strided.gather [hbm4b:s5+s17], $0x4000, s18, s17, $0x38;
	[tilespmem:$0x1C580] =	vst v63  }
0x23: {  	_ =	swait.ge [sflag:s21], $0x4000  }
0x24: {  	[sflag:s21] =	ssyncset.done $0x0  }
0x25: {  	s0 =	simm.s32 $0x40;
	[sflag:s21] =	ssyncadd.s32 $0xFFFFC000  }
0x26: {  	[tilespmem:s0+$0xFFFFFFC0] =	vst v0  }
0x27: {  	[tilespmem:s0+$0x30] =	vst v0  }
0x28: {  	[tilespmem:s0+$0x20] =	vst v0  }
0x29: {  	[tilespmem:s0+$0x10] =	vst v0  }
0x2a: {  	[tilespmem:s0+$0x0] =	vst v0  }
0x2b: {  	[tilespmem:s0+$0xFFFFFFF0] =	vst v0  }
0x2c: {  	s2 =	simm.s32 $0x0;
	[tilespmem:s0+$0xFFFFFFE0] =	vst v0  }
.LBB2_2:
0x2d: {  	s2 =	sadd.s32 $0x8, s2;
	[tilespmem:s0+$0xFFFFFFD0] =	vst v0;
	s0 =	sadd.s32 $0x80, s0;
	s1 =	simm.s32 $0x103C0  }
0x2e: {  	[tilespmem:s0+$0xFFFFFFC0] =	vst v0;
	p0 =	slt.u32 s2, $0xC30  }
0x2f: {  	[tilespmem:s0+$0x30] =	vst v0  }
.Ltmp0:
0x30: {  	[tilespmem:s0+$0x20] =	vst v0;
	(pc) =	sbr.rel @p0 .LBB2_2-.Ltmp0, $4  }
0x31: {  	[tilespmem:s0+$0x10] =	vst v0  }
0x32: {  	[tilespmem:s0+$0x0] =	vst v0  }
0x33: {  	[tilespmem:s0+$0xFFFFFFF0] =	vst v0  }
0x34: {  	[tilespmem:s0+$0xFFFFFFE0] =	vst v0  }
0x35: {  	[tilespmem:s0+$0xFFFFFFD0] =	vst v0  }
0x36: {  	v5 =	vld [tilespmem:s1+$0x30]  }
0x37: {  	v6 =	vld [tilespmem:s1+$0xFFFFFFD0]  }
0x38: {  	v7 =	vld [tilespmem:s1+$0xFFFFFFE0]  }
0x39: {  	v8 =	vld [tilespmem:s1+$0xFFFFFFF0]  }
0x3a: {  	v9 =	vld [tilespmem:s1+$0x0]  }
0x3b: {  	vm0 =	vlt.u32 v5, $0xC380  }
0x3c: {  	vm1 =	vlt.u32 v6, $0xC380  }
0x3d: {  	vm2 =	vlt.u32 v7, $0xC380  }
0x3e: {  	v2 =	vld [tilespmem:s1+$0x10];
	vm3 =	vlt.u32 v8, $0xC380  }
0x3f: {  	v3 =	vld [tilespmem:s1+$0x20];
	vm4 =	vlt.u32 v9, $0xC380  }
0x40: {  	v4 =	vld [tilespmem:s1+$0xFFFFFFC0]  }
0x41: {  	[tilespmem:v5+s3+$0x0] =	vst.idx.add.f32.msk vm0, v1  }
0x42: {  	[tilespmem:v6+s3+$0x0] =	vst.idx.add.f32.msk vm1, v1  }
0x43: {  	[tilespmem:v7+s3+$0x0] =	vst.idx.add.f32.msk vm2, v1  }
0x44: {  	[tilespmem:v8+s3+$0x0] =	vst.idx.add.f32.msk vm3, v1  }
0x45: {  	s0 =	simm.s32 $0x0;
	s30 =	simm.s32 $0x1C3C0;
	s1 =	simm.s32 $0x10440;
	vm0 =	vlt.u32 v2, $0xC380;
	vm1 =	vlt.u32 v3, $0xC380;
	vm2 =	vlt.u32 v4, $0xC380;
	[tilespmem:v9+s3+$0x0] =	vst.idx.add.f32.msk vm4, v1  }
.LBB2_4:
0x46: {  	v5 =	vld [tilespmem:s1+$0x30];
	s0 =	sadd.s32 $0x8, s0  }
0x47: {  	v6 =	vld [tilespmem:s1+$0xFFFFFFD0];
	p0 =	slt.u32 s0, $0x3F8  }
0x48: {  	v7 =	vld [tilespmem:s1+$0xFFFFFFE0]  }
0x49: {  	v8 =	vld [tilespmem:s1+$0xFFFFFFF0]  }
0x4a: {  	v9 =	vld [tilespmem:s1+$0x0]  }
0x4b: {  	v10 =	vld [tilespmem:s1+$0x10];
	vm3 =	vlt.u32 v5, $0xC380  }
0x4c: {  	vm4 =	vlt.u32 v6, $0xC380;
	v11 =	vld [tilespmem:s1+$0x20]  }
0x4d: {  	v12 =	vld [tilespmem:s1+$0xFFFFFFC0];
	vm5 =	vlt.u32 v7, $0xC380  }
0x4e: {  	vm6 =	vlt.u32 v8, $0xC380;
	[tilespmem:v4+s3+$0x0] =	vst.idx.add.f32.msk vm2, v1  }
0x4f: {  	vm7 =	vlt.u32 v9, $0xC380;
	[tilespmem:v2+s3+$0x0] =	vst.idx.add.f32.msk vm0, v1  }
0x50: {  	vm0 =	vlt.u32 v10, $0xC380;
	[tilespmem:v3+s3+$0x0] =	vst.idx.add.f32.msk vm1, v1;
	v2 =	vmov v10  }
.Ltmp1:
0x51: {  	vm1 =	vlt.u32 v11, $0xC380;
	[tilespmem:v5+s3+$0x0] =	vst.idx.add.f32.msk vm3, v1;
	v3 =	vmov v11;
	(pc) =	sbr.rel @p0 .LBB2_4-.Ltmp1, $4  }
0x52: {  	vm2 =	vlt.u32 v12, $0xC380;
	[tilespmem:v6+s3+$0x0] =	vst.idx.add.f32.msk vm4, v1;
	v4 =	vmov v12  }
0x53: {  	[tilespmem:v7+s3+$0x0] =	vst.idx.add.f32.msk vm5, v1  }
0x54: {  	[tilespmem:v8+s3+$0x0] =	vst.idx.add.f32.msk vm6, v1  }
0x55: {  	s1 =	sadd.s32 $0x80, s1;
	[tilespmem:v9+s3+$0x0] =	vst.idx.add.f32.msk vm7, v1  }
0x56: {  	_ =	sdelay $0x4  }
0x57: {  	[tilespmem:v4+s3+$0x0] =	vst.idx.add.f32.msk vm2, v1  }
0x58: {  	[tilespmem:v2+s3+$0x0] =	vst.idx.add.f32.msk vm0, v1  }
0x59: {  	[tilespmem:v3+s3+$0x0] =	vst.idx.add.f32.msk vm1, v1  }
0x5a: {  	v2 =	vld [tilespmem:s15+$0x30]  }
0x5b: {  	v3 =	vld [tilespmem:s15+$0xFFFFFFD0]  }
0x5c: {  	v4 =	vld [tilespmem:s15+$0xFFFFFFE0]  }
0x5d: {  	v6 =	vld [tilespmem:s15+$0xFFFFFFF0]  }
0x5e: {  	v8 =	vld [tilespmem:s15+$0x0]  }
0x5f: {  	v9 =	vld [tilespmem:s15+$0x10];
	vm3 =	vlt.u32 v2, $0xC380  }
0x60: {  	v10 =	vld [tilespmem:s15+$0xFFFFFFC0];
	vm1 =	vlt.u32 v3, $0xC380  }
0x61: {  	v11 =	vld [tilespmem:s15+$0x20];
	vm2 =	vlt.u32 v4, $0xC380  }
0x62: {  	vm0 =	vlt.u32 v6, $0xC380  }
0x63: {  	v14 =	vld [tilespmem:s30+$0x30];
	vm4 =	vlt.u32 v8, $0xC380  }
0x64: {  	v12 =	vld [tilespmem:s30+$0xFFFFFFC0];
	vm7 =	vlt.u32 v9, $0xC380  }
0x65: {  	vm6 =	vlt.u32 v10, $0xC380;
	v13 =	vld.idx.msk [tilespmem:v2+s3+$0x0], vm3  }
0x66: {  	vm8 =	vlt.u32 v11, $0xC380;
	v7 =	vld.idx.msk [tilespmem:v3+s3+$0x0], vm1  }
0x67: {  	v5 =	vld.idx.msk [tilespmem:v4+s3+$0x0], vm2  }
0x68: {  	v6 =	vld.idx.msk [tilespmem:v6+s3+$0x0], vm0  }
0x69: {  	v3 =	vld.idx.msk [tilespmem:v8+s3+$0x0], vm4  }
0x6a: {  	v2 =	vld.idx.msk [tilespmem:v9+s3+$0x0], vm7  }
0x6b: {  	v8 =	vld.idx.msk [tilespmem:v10+s3+$0x0], vm6  }
0x6c: {  	v4 =	vld.idx.msk [tilespmem:v11+s3+$0x0], vm8  }
0x6d: {  	v11 =	vld [tilespmem:s30+$0xFFFFFFD0]  }
0x6e: {  	v9 =	vld [tilespmem:s30+$0xFFFFFFE0];
	v10 =	vsel vm3, v13, v14  }
0x6f: {  	s1 =	simm.s32 $0x0;
	s2 =	sadd.s32 $0x80, s15;
	s0 =	simm.s32 $0x1C3C0;
	vm5 =	vmmov vm4;
	vm4 =	vmmov vm7;
	vm3 =	vmmov vm8;
	[tilespmem:s30+$0x30] =	vst v10;
	v10 =	vld [tilespmem:s30+$0xFFFFFFF0]  }
.LBB2_6:
0x70: {  	v13 =	vld [tilespmem:s2+$0x30];
	s1 =	sadd.s32 $0x8, s1  }
0x71: {  	v14 =	vld [tilespmem:s2+$0xFFFFFFD0];
	p0 =	slt.u32 s1, $0x18;
	v8 =	vsel vm6, v8, v12  }
0x72: {  	v12 =	vld [tilespmem:s2+$0xFFFFFFE0];
	[tilespmem:s30+$0xFFFFFFC0] =	vst v8;
	v7 =	vsel vm1, v7, v11  }
0x73: {  	v8 =	vld [tilespmem:s2+$0xFFFFFFF0];
	[tilespmem:s30+$0xFFFFFFD0] =	vst v7;
	v5 =	vsel vm2, v5, v9  }
0x74: {  	v9 =	vld [tilespmem:s2+$0x0];
	[tilespmem:s30+$0xFFFFFFE0] =	vst v5;
	v5 =	vsel vm0, v6, v10  }
0x75: {  	v10 =	vld [tilespmem:s2+$0x10];
	vm7 =	vlt.u32 v13, $0xC380;
	[tilespmem:s30+$0xFFFFFFF0] =	vst v5  }
0x76: {  	vm1 =	vlt.u32 v14, $0xC380;
	v11 =	vld [tilespmem:s2+$0x20]  }
0x77: {  	v15 =	vld [tilespmem:s2+$0xFFFFFFC0];
	vm2 =	vlt.u32 v12, $0xC380  }
0x78: {  	vm0 =	vlt.u32 v8, $0xC380;
	v5 =	vld [tilespmem:s30+$0x0]  }
0x79: {  	vm8 =	vlt.u32 v9, $0xC380;
	v6 =	vld [tilespmem:s30+$0x10]  }
0x7a: {  	vm9 =	vlt.u32 v10, $0xC380;
	v16 =	vld [tilespmem:s30+$0x20]  }
0x7b: {  	s30 =	sadd.s32 $0x80, s30;
	vm10 =	vlt.u32 v11, $0xC380;
	v13 =	vld.idx.msk [tilespmem:v13+s3+$0x0], vm7  }
0x7c: {  	vm6 =	vlt.u32 v15, $0xC380;
	v17 =	vld [tilespmem:s30+$0x30]  }
0x7d: {  	v7 =	vld.idx.msk [tilespmem:v14+s3+$0x0], vm1;
	v3 =	vsel vm5, v3, v5;
	vm5 =	vmmov vm8  }
0x7e: {  	v5 =	vld.idx.msk [tilespmem:v12+s3+$0x0], vm2;
	[tilespmem:s0+$0x0] =	vst v3;
	v2 =	vsel vm4, v2, v6;
	vm4 =	vmmov vm9  }
0x7f: {  	v6 =	vld.idx.msk [tilespmem:v8+s3+$0x0], vm0;
	[tilespmem:s0+$0x10] =	vst v2;
	v2 =	vsel vm3, v4, v16;
	vm3 =	vmmov vm10  }
0x80: {  	v3 =	vld.idx.msk [tilespmem:v9+s3+$0x0], vm8;
	[tilespmem:s0+$0x20] =	vst v2;
	s0 =	smov.u32 s30  }
0x81: {  	v2 =	vld.idx.msk [tilespmem:v10+s3+$0x0], vm9;
	v4 =	vsel vm7, v13, v17  }
0x82: {  	s31 =	simm.s32 $0x40;
	v8 =	vld.idx.msk [tilespmem:v15+s3+$0x0], vm6;
	[tilespmem:s30+$0x30] =	vst v4  }
.Ltmp2:
0x83: {  	v4 =	vld.idx.msk [tilespmem:v11+s3+$0x0], vm10;
	(pc) =	sbr.rel @p0 .LBB2_6-.Ltmp2, $4  }
0x84: {  	v12 =	vld [tilespmem:s30+$0xFFFFFFC0]  }
0x85: {  	v11 =	vld [tilespmem:s30+$0xFFFFFFD0]  }
0x86: {  	v9 =	vld [tilespmem:s30+$0xFFFFFFE0]  }
0x87: {  	s2 =	sadd.s32 $0x80, s2;
	v10 =	vld [tilespmem:s30+$0xFFFFFFF0]  }
0x88: {  	v13 =	vld [tilespmem:s30+$0x0]  }
0x89: {  	v61 =	vld [tilespmem:s30+$0x10];
	v8 =	vsel vm6, v8, v12  }
0x8a: {  	v62 =	vld [tilespmem:s30+$0x20];
	[tilespmem:s30+$0xFFFFFFC0] =	vst v8;
	v7 =	vsel vm1, v7, v11  }
0x8b: {  	[tilespmem:s30+$0xFFFFFFD0] =	vst v7;
	v5 =	vsel vm2, v5, v9  }
0x8c: {  	[tilespmem:s30+$0xFFFFFFE0] =	vst v5;
	v63 =	vsel vm0, v6, v10  }
0x8d: {  	[tilespmem:s30+$0xFFFFFFF0] =	vst v63;
	v3 =	vsel vm5, v3, v13  }
0x8e: {  	v2 =	vsel vm4, v2, v61;
	[tilespmem:s0+$0x0] =	vst v3  }
0x8f: {  	[tilespmem:s0+$0x10] =	vst v2;
	v2 =	vsel vm3, v4, v62  }
0x90: {  	[tilespmem:s0+$0x20] =	vst v2  }
0x91: {  	[tilespmem:s31+$0xFFFFFFC0] =	vst v0  }
0x92: {  	[tilespmem:s31+$0x30] =	vst v0  }
0x93: {  	[tilespmem:s31+$0x20] =	vst v0  }
0x94: {  	[tilespmem:s31+$0x10] =	vst v0  }
0x95: {  	[tilespmem:s31+$0x0] =	vst v0  }
0x96: {  	[tilespmem:s31+$0xFFFFFFF0] =	vst v0  }
0x97: {  	s0 =	simm.s32 $0x0;
	[tilespmem:s31+$0xFFFFFFE0] =	vst v0  }
.LBB2_8:
0x98: {  	s0 =	sadd.s32 $0x8, s0;
	[tilespmem:s31+$0xFFFFFFD0] =	vst v0;
	s31 =	sadd.s32 $0x80, s31  }
0x99: {  	[tilespmem:s31+$0xFFFFFFC0] =	vst v0;
	p0 =	slt.u32 s0, $0xC28  }
0x9a: {  	[tilespmem:s31+$0x30] =	vst v0  }
.Ltmp3:
0x9b: {  	[tilespmem:s31+$0x20] =	vst v0;
	(pc) =	sbr.rel @p0 .LBB2_8-.Ltmp3, $4  }
0x9c: {  	[tilespmem:s31+$0x10] =	vst v0  }
0x9d: {  	[tilespmem:s31+$0x0] =	vst v0  }
0x9e: {  	[tilespmem:s31+$0xFFFFFFF0] =	vst v0  }
0x9f: {  	[tilespmem:s31+$0xFFFFFFE0] =	vst v0  }
0xa0: {  	[tilespmem:s31+$0xFFFFFFD0] =	vst v0;
	s0 =	simm.s32 $0x0  }
.LBB2_10:
0xa1: {  	p0 =	sne.s32 s0, $0x40  }
.Ltmp4:
0xa2: {  	_ = 	snop;
	(pc) =	sbr.rel @p0 .LBB2_10-.Ltmp4, $3  }
0xa3: {  	_ =	sdelay $0x1  }
0xa4: {  	s1 =	sshra.s32 s0, $0x2  }
0xa5: {  	s0 =	sadd.s32 $0x40, s0;
	[tilespmem:s1+$0xC300] =	vst v0  }
0xa6: {  	s0 =	simm.s32 $0x103C0  }
0xa7: {  	v2 =	vld [tilespmem:s0+$0x30]  }
0xa8: {  	v3 =	vld [tilespmem:s0+$0xFFFFFFD0]  }
0xa9: {  	v4 =	vld [tilespmem:s0+$0xFFFFFFE0]  }
0xaa: {  	v5 =	vld [tilespmem:s0+$0xFFFFFFF0];
	_ =	sdelay $0x1  }
0xab: {  	v6 =	vadd.s32 $0xFFFF3C80, v2  }
0xac: {  	v7 =	vld [tilespmem:s0+$0x10];
	v3 =	vadd.s32 $0xFFFF3C80, v3;
	vm0 =	vlt.u32 v6, $0xC320  }
0xad: {  	v2 =	vld [tilespmem:s0+$0x0];
	v8 =	vadd.s32 $0xFFFF3C80, v4;
	vm1 =	vlt.u32 v3, $0xC320  }
0xae: {  	v9 =	vadd.s32 $0xFFFF3C80, v5;
	v5 =	vld [tilespmem:s0+$0xFFFFFFC0];
	vm2 =	vlt.u32 v8, $0xC320  }
0xaf: {  	v4 =	vld [tilespmem:s0+$0x20];
	vm4 =	vlt.u32 v9, $0xC320;
	_ =	sdelay $0x2  }
0xb0: {  	[tilespmem:v6+s3+$0x0] =	vst.idx.add.f32.msk vm0, v1  }
0xb1: {  	v2 =	vadd.s32 $0xFFFF3C80, v2;
	v5 =	vadd.s32 $0xFFFF3C80, v5;
	[tilespmem:v3+s3+$0x0] =	vst.idx.add.f32.msk vm1, v1  }
0xb2: {  	v4 =	vadd.s32 $0xFFFF3C80, v4;
	vm3 =	vlt.u32 v5, $0xC320;
	v3 =	vadd.s32 $0xFFFF3C80, v7;
	[tilespmem:v8+s3+$0x0] =	vst.idx.add.f32.msk vm2, v1  }
0xb3: {  	s2 =	simm.s32 $0x10440;
	s0 =	simm.s32 $0x0;
	vm0 =	vlt.u32 v2, $0xC320;
	vm2 =	vlt.u32 v4, $0xC320;
	[tilespmem:v9+s3+$0x0] =	vst.idx.add.f32.msk vm4, v1;
	vm1 =	vlt.u32 v3, $0xC320  }
.LBB2_12:
0xb4: {  	v6 =	vld [tilespmem:s2+$0x30];
	s0 =	sadd.s32 $0x8, s0  }
0xb5: {  	v7 =	vld [tilespmem:s2+$0xFFFFFFD0];
	p0 =	slt.u32 s0, $0x3F8  }
0xb6: {  	v8 =	vld [tilespmem:s2+$0xFFFFFFE0]  }
0xb7: {  	v9 =	vld [tilespmem:s2+$0xFFFFFFF0]  }
0xb8: {  	v10 =	vld [tilespmem:s2+$0x0]  }
0xb9: {  	v11 =	vld [tilespmem:s2+$0x10];
	v6 =	vadd.s32 $0xFFFF3C80, v6  }
0xba: {  	v7 =	vadd.s32 $0xFFFF3C80, v7;
	v12 =	vld [tilespmem:s2+$0x20];
	vm4 =	vlt.u32 v6, $0xC320  }
0xbb: {  	v13 =	vld [tilespmem:s2+$0xFFFFFFC0];
	vm5 =	vlt.u32 v7, $0xC320;
	v8 =	vadd.s32 $0xFFFF3C80, v8  }
0xbc: {  	vm6 =	vlt.u32 v8, $0xC320;
	v9 =	vadd.s32 $0xFFFF3C80, v9;
	[tilespmem:v5+s3+$0x0] =	vst.idx.add.f32.msk vm3, v1  }
0xbd: {  	vm7 =	vlt.u32 v9, $0xC320;
	[tilespmem:v2+s3+$0x0] =	vst.idx.add.f32.msk vm0, v1;
	v2 =	vadd.s32 $0xFFFF3C80, v10  }
0xbe: {  	vm0 =	vlt.u32 v2, $0xC320;
	[tilespmem:v3+s3+$0x0] =	vst.idx.add.f32.msk vm1, v1;
	v3 =	vadd.s32 $0xFFFF3C80, v11  }
.Ltmp5:
0xbf: {  	vm1 =	vlt.u32 v3, $0xC320;
	[tilespmem:v4+s3+$0x0] =	vst.idx.add.f32.msk vm2, v1;
	v4 =	vadd.s32 $0xFFFF3C80, v12;
	(pc) =	sbr.rel @p0 .LBB2_12-.Ltmp5, $4  }
0xc0: {  	s1 =	simm.s32 $0x1C3C0;
	v5 =	vadd.s32 $0xFFFF3C80, v13;
	vm2 =	vlt.u32 v4, $0xC320;
	[tilespmem:v6+s3+$0x0] =	vst.idx.add.f32.msk vm4, v1  }
0xc1: {  	vm3 =	vlt.u32 v5, $0xC320;
	[tilespmem:v7+s3+$0x0] =	vst.idx.add.f32.msk vm5, v1  }
0xc2: {  	[tilespmem:v8+s3+$0x0] =	vst.idx.add.f32.msk vm6, v1  }
0xc3: {  	s2 =	sadd.s32 $0x80, s2;
	[tilespmem:v9+s3+$0x0] =	vst.idx.add.f32.msk vm7, v1  }
0xc4: {  	_ =	sdelay $0x4  }
0xc5: {  	[tilespmem:v5+s3+$0x0] =	vst.idx.add.f32.msk vm3, v1  }
0xc6: {  	[tilespmem:v2+s3+$0x0] =	vst.idx.add.f32.msk vm0, v1  }
0xc7: {  	[tilespmem:v3+s3+$0x0] =	vst.idx.add.f32.msk vm1, v1  }
0xc8: {  	[tilespmem:v4+s3+$0x0] =	vst.idx.add.f32.msk vm2, v1  }
0xc9: {  	v2 =	vld [tilespmem:s15+$0x30]  }
0xca: {  	v3 =	vld [tilespmem:s15+$0xFFFFFFD0]  }
0xcb: {  	v4 =	vld [tilespmem:s15+$0xFFFFFFE0]  }
0xcc: {  	v5 =	vld [tilespmem:s15+$0xFFFFFFF0]  }
0xcd: {  	v6 =	vld [tilespmem:s15+$0x0]  }
0xce: {  	v7 =	vld [tilespmem:s15+$0x10];
	v2 =	vadd.s32 $0xFFFF3C80, v2  }
0xcf: {  	v8 =	vld [tilespmem:s15+$0xFFFFFFC0];
	v3 =	vadd.s32 $0xFFFF3C80, v3;
	vm3 =	vlt.u32 v2, $0xC320  }
0xd0: {  	v9 =	vld [tilespmem:s15+$0x20];
	v4 =	vadd.s32 $0xFFFF3C80, v4;
	vm1 =	vlt.u32 v3, $0xC320  }
0xd1: {  	v5 =	vadd.s32 $0xFFFF3C80, v5;
	vm0 =	vlt.u32 v4, $0xC320  }
0xd2: {  	v10 =	vadd.s32 $0xFFFF3C80, v6;
	vm2 =	vlt.u32 v5, $0xC320  }
0xd3: {  	v11 =	vadd.s32 $0xFFFF3C80, v7;
	vm4 =	vlt.u32 v10, $0xC320  }
0xd4: {  	v13 =	vld [tilespmem:s1+$0x30];
	v8 =	vadd.s32 $0xFFFF3C80, v8;
	vm7 =	vlt.u32 v11, $0xC320  }
0xd5: {  	v9 =	vadd.s32 $0xFFFF3C80, v9;
	vm6 =	vlt.u32 v8, $0xC320;
	v12 =	vld.idx.msk [tilespmem:v2+s3+$0x0], vm3  }
0xd6: {  	vm8 =	vlt.u32 v9, $0xC320;
	v7 =	vld.idx.msk [tilespmem:v3+s3+$0x0], vm1  }
0xd7: {  	v6 =	vld.idx.msk [tilespmem:v4+s3+$0x0], vm0  }
0xd8: {  	v5 =	vld.idx.msk [tilespmem:v5+s3+$0x0], vm2  }
0xd9: {  	v4 =	vld.idx.msk [tilespmem:v10+s3+$0x0], vm4  }
0xda: {  	v2 =	vld.idx.msk [tilespmem:v11+s3+$0x0], vm7  }
0xdb: {  	v8 =	vld.idx.msk [tilespmem:v8+s3+$0x0], vm6  }
0xdc: {  	v3 =	vld.idx.msk [tilespmem:v9+s3+$0x0], vm8  }
0xdd: {  	v11 =	vld [tilespmem:s1+$0xFFFFFFC0]  }
0xde: {  	vm5 =	vmmov vm4;
	v9 =	vld [tilespmem:s1+$0xFFFFFFD0];
	v10 =	vsel vm3, v12, v13  }
0xdf: {  	s2 =	simm.s32 $0x0;
	s30 =	sadd.s32 $0x80, s15;
	s0 =	simm.s32 $0x1C3C0;
	vm2 =	vmmov vm2;
	vm4 =	vmmov vm7;
	vm3 =	vmmov vm8;
	[tilespmem:s1+$0x30] =	vst v10;
	v10 =	vld [tilespmem:s1+$0xFFFFFFE0]  }
.LBB2_14:
0xe0: {  	v12 =	vld [tilespmem:s30+$0x30];
	s2 =	sadd.s32 $0x8, s2  }
0xe1: {  	v13 =	vld [tilespmem:s30+$0xFFFFFFD0];
	p0 =	slt.u32 s2, $0x18  }
0xe2: {  	v14 =	vld [tilespmem:s30+$0xFFFFFFE0];
	v8 =	vsel vm6, v8, v11  }
0xe3: {  	v11 =	vld [tilespmem:s30+$0xFFFFFFF0];
	[tilespmem:s1+$0xFFFFFFC0] =	vst v8;
	v7 =	vsel vm1, v7, v9  }
0xe4: {  	v8 =	vld [tilespmem:s30+$0x0];
	[tilespmem:s1+$0xFFFFFFD0] =	vst v7;
	v6 =	vsel vm0, v6, v10  }
0xe5: {  	v7 =	vld [tilespmem:s30+$0x10];
	v9 =	vadd.s32 $0xFFFF3C80, v12;
	[tilespmem:s1+$0xFFFFFFE0] =	vst v6  }
0xe6: {  	v6 =	vadd.s32 $0xFFFF3C80, v13;
	v10 =	vld [tilespmem:s30+$0x20];
	vm7 =	vlt.u32 v9, $0xC320  }
0xe7: {  	v12 =	vld [tilespmem:s30+$0xFFFFFFC0];
	vm1 =	vlt.u32 v6, $0xC320;
	v13 =	vadd.s32 $0xFFFF3C80, v14  }
0xe8: {  	vm0 =	vlt.u32 v13, $0xC320;
	v11 =	vadd.s32 $0xFFFF3C80, v11;
	v14 =	vld [tilespmem:s1+$0xFFFFFFF0]  }
0xe9: {  	vm11 =	vlt.u32 v11, $0xC320;
	v8 =	vadd.s32 $0xFFFF3C80, v8;
	v15 =	vld [tilespmem:s1+$0x0]  }
0xea: {  	vm9 =	vlt.u32 v8, $0xC320;
	v16 =	vadd.s32 $0xFFFF3C80, v7;
	v17 =	vld [tilespmem:s1+$0x10]  }
0xeb: {  	vm10 =	vlt.u32 v16, $0xC320;
	v10 =	vadd.s32 $0xFFFF3C80, v10;
	v18 =	vld [tilespmem:s1+$0x20]  }
0xec: {  	s1 =	sadd.s32 $0x80, s1;
	v12 =	vadd.s32 $0xFFFF3C80, v12;
	vm8 =	vlt.u32 v10, $0xC320;
	v9 =	vld.idx.msk [tilespmem:v9+s3+$0x0], vm7  }
0xed: {  	vm6 =	vlt.u32 v12, $0xC320;
	v19 =	vld [tilespmem:s1+$0x30];
	v5 =	vsel vm2, v5, v14;
	vm2 =	vmmov vm11  }
0xee: {  	v7 =	vld.idx.msk [tilespmem:v6+s3+$0x0], vm1;
	[tilespmem:s0+$0xFFFFFFF0] =	vst v5;
	v4 =	vsel vm5, v4, v15;
	vm5 =	vmmov vm9  }
0xef: {  	v6 =	vld.idx.msk [tilespmem:v13+s3+$0x0], vm0;
	[tilespmem:s0+$0x0] =	vst v4;
	v2 =	vsel vm4, v2, v17;
	vm4 =	vmmov vm10  }
0xf0: {  	v5 =	vld.idx.msk [tilespmem:v11+s3+$0x0], vm11;
	[tilespmem:s0+$0x10] =	vst v2;
	v2 =	vsel vm3, v3, v18;
	vm3 =	vmmov vm8  }
0xf1: {  	v4 =	vld.idx.msk [tilespmem:v8+s3+$0x0], vm9;
	[tilespmem:s0+$0x20] =	vst v2;
	s0 =	smov.u32 s1  }
0xf2: {  	v2 =	vld.idx.msk [tilespmem:v16+s3+$0x0], vm10;
	v3 =	vsel vm7, v9, v19  }
.Ltmp6:
0xf3: {  	v8 =	vld.idx.msk [tilespmem:v12+s3+$0x0], vm6;
	[tilespmem:s1+$0x30] =	vst v3;
	(pc) =	sbr.rel @p0 .LBB2_14-.Ltmp6, $4  }
0xf4: {  	v3 =	vld.idx.msk [tilespmem:v10+s3+$0x0], vm8  }
0xf5: {  	v11 =	vld [tilespmem:s1+$0xFFFFFFC0]  }
0xf6: {  	v9 =	vld [tilespmem:s1+$0xFFFFFFD0]  }
0xf7: {  	s30 =	sadd.s32 $0x80, s30;
	v10 =	vld [tilespmem:s1+$0xFFFFFFE0]  }
0xf8: {  	v12 =	vld [tilespmem:s1+$0xFFFFFFF0]  }
0xf9: {  	v13 =	vld [tilespmem:s1+$0x0]  }
0xfa: {  	v8 =	vsel vm6, v8, v11;
	v11 =	vld [tilespmem:s1+$0x10]  }
0xfb: {  	[tilespmem:s1+$0xFFFFFFC0] =	vst v8;
	v7 =	vsel vm1, v7, v9;
	v8 =	vld [tilespmem:s1+$0x20]  }
0xfc: {  	[tilespmem:s1+$0xFFFFFFD0] =	vst v7;
	v6 =	vsel vm0, v6, v10  }
0xfd: {  	[tilespmem:s1+$0xFFFFFFE0] =	vst v6;
	v5 =	vsel vm2, v5, v12  }
0xfe: {  	v4 =	vsel vm5, v4, v13;
	[tilespmem:s0+$0xFFFFFFF0] =	vst v5  }
0xff: {  	[tilespmem:s0+$0x0] =	vst v4;
	v2 =	vsel vm4, v2, v11  }
0x100: {  	[tilespmem:s0+$0x10] =	vst v2;
	v2 =	vsel vm3, v3, v8  }
0x101: {  	s1 =	simm.s32 $0x0;
	[tilespmem:s0+$0x20] =	vst v2  }
0x102: {  	[hbm4b:s6+s1] =	stream.linear.scatter [tilespmem:s22], [sflag:$0x1], $0x200, $0x38;
	[tilespmem:$0x1C580] =	vst v63  }
0x103: {  	_ =	swait.ge [sflag:s23], $0x4000  }
0x104: {  	[sflag:s23] =	ssyncset.done $0x0  }
0x105: {  	[sflag:s23] =	ssyncadd.s32 $0xFFFFC000  }
0x106: {  	[tilespmem:s1], [sflag:$0x4] =	stream.strided.gather [hbm4b:s7+s17], $0xC380, s18, s17, $0x38;
	[tilespmem:$0x1C580] =	vst v63  }
0x107: {  	_ =	swait.ge [sflag:s24], $0xC380  }
0x108: {  	[sflag:s24] =	ssyncset.done $0x0  }
0x109: {  	s19 =	simm.s32 $0x103C0;
	[sflag:s24] =	ssyncadd.s32 $0xFFFF3C80  }
0x10a: {  	v2 =	vld [tilespmem:s19+$0x30]  }
0x10b: {  	v3 =	vld [tilespmem:s19+$0xFFFFFFC0]  }
0x10c: {  	v4 =	vld [tilespmem:s19+$0xFFFFFFD0]  }
0x10d: {  	v5 =	vld [tilespmem:s19+$0xFFFFFFE0]  }
0x10e: {  	v9 =	vld [tilespmem:s19+$0xFFFFFFF0]  }
0x10f: {  	v10 =	vld [tilespmem:s19+$0x0];
	vm4 =	vlt.u32 v2, $0xC380  }
0x110: {  	v11 =	vld [tilespmem:s19+$0x10];
	vm3 =	vlt.u32 v3, $0xC380  }
0x111: {  	v12 =	vld [tilespmem:s19+$0x20];
	vm2 =	vlt.u32 v4, $0xC380  }
0x112: {  	vm1 =	vlt.u32 v5, $0xC380  }
0x113: {  	s31 =	simm.s32 $0x143C0;
	vm0 =	vlt.u32 v9, $0xC380  }
0x114: {  	v14 =	vld [tilespmem:s31+$0x30];
	vm5 =	vlt.u32 v10, $0xC380  }
0x115: {  	vm7 =	vlt.u32 v11, $0xC380;
	v13 =	vld.idx.msk [tilespmem:v2+s3+$0x0], vm4  }
0x116: {  	vm8 =	vlt.u32 v12, $0xC380;
	v8 =	vld.idx.msk [tilespmem:v3+s3+$0x0], vm3  }
0x117: {  	v7 =	vld.idx.msk [tilespmem:v4+s3+$0x0], vm2  }
0x118: {  	v6 =	vld.idx.msk [tilespmem:v5+s3+$0x0], vm1  }
0x119: {  	v5 =	vld.idx.msk [tilespmem:v9+s3+$0x0], vm0  }
0x11a: {  	v2 =	vld.idx.msk [tilespmem:v10+s3+$0x0], vm5  }
0x11b: {  	v3 =	vld.idx.msk [tilespmem:v11+s3+$0x0], vm7;
	v9 =	vsub.f32 v14, v13  }
0x11c: {  	s20 =	simm.s32 $0x0;
	v4 =	vld.idx.msk [tilespmem:v12+s3+$0x0], vm8  }
0x11d: {  	s30 =	simm.s32 $0x0;
	s2 =	sand.u32 $0x1C00, s1;
	s0 =	sand.u32 $0x2000, s20;
	v10 =	vmul.f32 v9, v9;
	v9 =	vld [tilespmem:s31+$0xFFFFFFC0]  }
0x11e: {  	s30 =	sand.u32 $0x380, s30;
	s0 =	sor.u32 s2, s0;
	v11 =	vld [tilespmem:s31+$0xFFFFFFD0]  }
0x11f: {  	s30 =	sor.u32 s0, s30;
	v12 =	vnsel vm4, $0x0, v10;
	v10 =	vld [tilespmem:s31+$0xFFFFFFE0]  }
0x120: {  	s2 =	simm.s32 $0x10440;
	s0 =	simm.s32 $0x0;
	vm6 =	vmmov vm5;
	vm5 =	vmmov vm8;
	vm4 =	vmmov vm7;
	[tilespmem:s30+$0xC3F0] =	vst v12;
	v12 =	vld [tilespmem:s31+$0xFFFFFFF0]  }
.LBB2_16:
0x121: {  	v13 =	vld [tilespmem:s2+$0x30]  }
0x122: {  	v14 =	vld [tilespmem:s2+$0xFFFFFFC0];
	v8 =	vsub.f32 v9, v8  }
0x123: {  	v9 =	vld [tilespmem:s2+$0xFFFFFFD0];
	v7 =	vsub.f32 v11, v7  }
0x124: {  	v11 =	vld [tilespmem:s2+$0xFFFFFFE0];
	v8 =	vmul.f32 v8, v8;
	v6 =	vsub.f32 v10, v6  }
0x125: {  	v10 =	vld [tilespmem:s2+$0xFFFFFFF0];
	v7 =	vmul.f32 v7, v7;
	v5 =	vsub.f32 v12, v5  }
0x126: {  	v12 =	vld [tilespmem:s2+$0x0];
	vm7 =	vlt.u32 v13, $0xC380;
	v8 =	vnsel vm3, $0x0, v8;
	v6 =	vmul.f32 v6, v6  }
0x127: {  	vm3 =	vlt.u32 v14, $0xC380;
	v15 =	vld [tilespmem:s2+$0x10];
	[tilespmem:s30+$0xC380] =	vst v8;
	v7 =	vnsel vm2, $0x0, v7;
	v5 =	vmul.f32 v5, v5  }
0x128: {  	vm2 =	vlt.u32 v9, $0xC380;
	v16 =	vld [tilespmem:s2+$0x20];
	[tilespmem:s30+$0xC390] =	vst v7;
	v6 =	vnsel vm1, $0x0, v6  }
0x129: {  	vm1 =	vlt.u32 v11, $0xC380;
	[tilespmem:s30+$0xC3A0] =	vst v6;
	v5 =	vnsel vm0, $0x0, v5;
	v6 =	vld [tilespmem:s31+$0x0]  }
0x12a: {  	vm0 =	vlt.u32 v10, $0xC380;
	[tilespmem:s30+$0xC3B0] =	vst v5;
	v5 =	vld [tilespmem:s31+$0x10]  }
0x12b: {  	vm9 =	vlt.u32 v12, $0xC380;
	v17 =	vld [tilespmem:s31+$0x20]  }
0x12c: {  	s31 =	sadd.s32 $0x80, s31;
	vm10 =	vlt.u32 v15, $0xC380;
	v13 =	vld.idx.msk [tilespmem:v13+s3+$0x0], vm7  }
0x12d: {  	vm8 =	vlt.u32 v16, $0xC380;
	v18 =	vld [tilespmem:s31+$0x30]  }
0x12e: {  	v8 =	vld.idx.msk [tilespmem:v14+s3+$0x0], vm3;
	v2 =	vsub.f32 v6, v2  }
0x12f: {  	v7 =	vld.idx.msk [tilespmem:v9+s3+$0x0], vm2;
	v3 =	vsub.f32 v5, v3  }
0x130: {  	v6 =	vld.idx.msk [tilespmem:v11+s3+$0x0], vm1;
	v9 =	vmul.f32 v2, v2;
	v4 =	vsub.f32 v17, v4  }
0x131: {  	v5 =	vld.idx.msk [tilespmem:v10+s3+$0x0], vm0;
	v10 =	vmul.f32 v3, v3  }
0x132: {  	s0 =	sadd.s32 $0x8, s0;
	s1 =	sadd.s32 $0x400, s1;
	v2 =	vld.idx.msk [tilespmem:v12+s3+$0x0], vm9;
	v11 =	vsub.f32 v18, v13;
	v9 =	vnsel vm6, $0x0, v9;
	v12 =	vmul.f32 v4, v4  }
0x133: {  	s16 =	sshll.u32 s0, $0x4;
	p0 =	slt.u32 s0, $0x3F8;
	s19 =	sand.u32 $0x1C00, s1;
	vm6 =	vmmov vm9;
	v3 =	vld.idx.msk [tilespmem:v15+s3+$0x0], vm10;
	[tilespmem:s30+$0xC3C0] =	vst v9;
	v9 =	vnsel vm4, $0x0, v10;
	vm4 =	vmmov vm10  }
.Ltmp7:
0x134: {  	s20 =	sshll.u32 s0, $0x1;
	s16 =	sand.u32 $0x2000, s16;
	v4 =	vld.idx.msk [tilespmem:v16+s3+$0x0], vm8;
	v10 =	vmul.f32 v11, v11;
	[tilespmem:s30+$0xC3D0] =	vst v9;
	v11 =	vnsel vm5, $0x0, v12;
	(pc) =	sbr.rel @p0 .LBB2_16-.Ltmp7, $4  }
0x135: {  	s20 =	sand.u32 $0x380, s20;
	s16 =	sor.u32 s19, s16;
	vm5 =	vmmov vm8;
	v9 =	vld [tilespmem:s31+$0xFFFFFFC0];
	[tilespmem:s30+$0xC3E0] =	vst v11  }
0x136: {  	s30 =	sor.u32 s16, s20;
	v11 =	vld [tilespmem:s31+$0xFFFFFFD0];
	v12 =	vnsel vm7, $0x0, v10  }
0x137: {  	v10 =	vld [tilespmem:s31+$0xFFFFFFE0];
	[tilespmem:s30+$0xC3F0] =	vst v12  }
0x138: {  	s2 =	sadd.s32 $0x80, s2;
	v12 =	vld [tilespmem:s31+$0xFFFFFFF0]  }
0x139: {  	v13 =	vld [tilespmem:s31+$0x0]  }
0x13a: {  	v8 =	vsub.f32 v9, v8;
	v9 =	vld [tilespmem:s31+$0x10]  }
0x13b: {  	v7 =	vsub.f32 v11, v7;
	v11 =	vld [tilespmem:s31+$0x20]  }
0x13c: {  	v8 =	vmul.f32 v8, v8;
	v6 =	vsub.f32 v10, v6  }
0x13d: {  	v7 =	vmul.f32 v7, v7;
	v5 =	vsub.f32 v12, v5  }
0x13e: {  	v8 =	vnsel vm3, $0x0, v8;
	v6 =	vmul.f32 v6, v6;
	v2 =	vsub.f32 v13, v2  }
0x13f: {  	[tilespmem:s30+$0xC380] =	vst v8;
	v7 =	vnsel vm2, $0x0, v7;
	v5 =	vmul.f32 v5, v5;
	v3 =	vsub.f32 v9, v3  }
0x140: {  	[tilespmem:s30+$0xC390] =	vst v7;
	v6 =	vnsel vm1, $0x0, v6;
	v2 =	vmul.f32 v2, v2;
	v4 =	vsub.f32 v11, v4  }
0x141: {  	[tilespmem:s30+$0xC3A0] =	vst v6;
	v5 =	vnsel vm0, $0x0, v5;
	v3 =	vmul.f32 v3, v3  }
0x142: {  	[tilespmem:s30+$0xC3B0] =	vst v5;
	v2 =	vnsel vm6, $0x0, v2;
	v4 =	vmul.f32 v4, v4  }
0x143: {  	[tilespmem:s30+$0xC3C0] =	vst v2;
	v2 =	vnsel vm4, $0x0, v3  }
0x144: {  	[tilespmem:s30+$0xC3D0] =	vst v2;
	v2 =	vnsel vm5, $0x0, v4  }
0x145: {  	[tilespmem:s30+$0xC3E0] =	vst v2;
	s30 =	simm.s32 $0x0  }
0x146: {  	[tilespmem:s30], [sflag:$0x4] =	stream.strided.gather [hbm4b:s8+s17], $0xC300, s18, s17, $0x38;
	[tilespmem:$0x1C580] =	vst v63  }
0x147: {  	_ =	swait.ge [sflag:s24], $0xC300  }
0x148: {  	[sflag:s24] =	ssyncset.done $0x0  }
0x149: {  	[sflag:s24] =	ssyncadd.s32 $0xFFFF3D00  }
0x14a: {  	[tilespmem:s25], [sflag:$0x4] =	stream.linear.gather [hbm4b:s9+s30], $0x80, $0x38;
	[tilespmem:$0x1C580] =	vst v63  }
0x14b: {  	_ =	swait.ge [sflag:s24], $0x80  }
0x14c: {  	[sflag:s24] =	ssyncset.done $0x0  }
0x14d: {  	s0 =	simm.s32 $0x103C0;
	[sflag:s24] =	ssyncadd.s32 $0xFFFFFF80  }
0x14e: {  	v2 =	vld [tilespmem:s0+$0x30];
	_ =	sdelay $0x1  }
0x14f: {  	v3 =	vld [tilespmem:s0+$0xFFFFFFC0]  }
0x150: {  	v4 =	vld [tilespmem:s0+$0xFFFFFFD0]  }
0x151: {  	v5 =	vld [tilespmem:s0+$0xFFFFFFE0]  }
0x152: {  	v7 =	vld [tilespmem:s0+$0x0];
	v2 =	vadd.s32 $0xFFFF3C80, v2  }
0x153: {  	v6 =	vld [tilespmem:s0+$0xFFFFFFF0];
	vm7 =	vlt.u32 v2, $0xC320  }
0x154: {  	s20 =	simm.s32 $0x0;
	v8 =	vld [tilespmem:s0+$0x10];
	v3 =	vadd.s32 $0xFFFF3C80, v3  }
0x155: {  	s16 =	simm.s32 $0x0;
	s2 =	sand.u32 $0x1C00, s30;
	v9 =	vld [tilespmem:s0+$0x20];
	s0 =	sand.u32 $0x2000, s20;
	v4 =	vadd.s32 $0xFFFF3C80, v4;
	vm6 =	vlt.u32 v3, $0xC320  }
0x156: {  	s1 =	simm.s32 $0x143C0;
	s16 =	sand.u32 $0x380, s16;
	s0 =	sor.u32 s2, s0;
	v5 =	vadd.s32 $0xFFFF3C80, v5;
	vm5 =	vlt.u32 v4, $0xC320  }
0x157: {  	v15 =	vld [tilespmem:s1+$0xFFFFFFF0];
	s31 =	sor.u32 s0, s16;
	v7 =	vadd.s32 $0xFFFF3C80, v7;
	vm4 =	vlt.u32 v5, $0xC320  }
0x158: {  	v13 =	vld [tilespmem:s31+$0xC3F0];
	vm2 =	vlt.u32 v7, $0xC320  }
0x159: {  	v10 =	vld.idx.msk [tilespmem:v2+s3+$0x0], vm7  }
0x15a: {  	v2 =	vadd.s32 $0xFFFF3C80, v8;
	v8 =	vld [tilespmem:s1+$0x30]  }
0x15b: {  	v9 =	vadd.s32 $0xFFFF3C80, v9;
	v11 =	vld.idx.msk [tilespmem:v3+s3+$0x0], vm6;
	vm0 =	vlt.u32 v2, $0xC320  }
0x15c: {  	vm1 =	vlt.u32 v9, $0xC320;
	v4 =	vld.idx.msk [tilespmem:v4+s3+$0x0], vm5  }
0x15d: {  	v6 =	vadd.s32 $0xFFFF3C80, v6;
	v12 =	vld.idx.msk [tilespmem:v5+s3+$0x0], vm4  }
0x15e: {  	vm3 =	vlt.u32 v6, $0xC320;
	v14 =	vld.idx.msk [tilespmem:v7+s3+$0x0], vm2  }
0x15f: {  	v5 =	vld [tilespmem:s1+$0xFFFFFFC0]  }
0x160: {  	v7 =	vld [tilespmem:s1+$0xFFFFFFD0]  }
0x161: {  	v3 =	vld.idx.msk [tilespmem:v2+s3+$0x0], vm0  }
0x162: {  	v2 =	vld.idx.msk [tilespmem:v9+s3+$0x0], vm1  }
0x163: {  	v8 =	vsub.f32 v8, v10;
	v9 =	vld [tilespmem:s1+$0xFFFFFFE0]  }
0x164: {  	v6 =	vld.idx.msk [tilespmem:v6+s3+$0x0], vm3  }
0x165: {  	v16 =	vld [tilespmem:s1+$0x0];
	v8 =	vmul.f32 v8, v8  }
0x166: {  	v10 =	vsub.f32 v5, v11;
	v5 =	vld [tilespmem:s1+$0x10]  }
0x167: {  	v7 =	vsub.f32 v7, v4;
	v4 =	vld [tilespmem:s1+$0x20];
	v8 =	vnsel vm7, $0x0, v8  }
0x168: {  	v17 =	vmul.f32 v10, v10;
	v13 =	vadd.f32 v8, v13;
	v8 =	vld [tilespmem:s31+$0xC380];
	v12 =	vsub.f32 v9, v12  }
0x169: {  	v11 =	vsub.f32 v15, v6;
	v10 =	vmul.f32 v7, v7;
	v7 =	vld [tilespmem:s31+$0xC390]  }
0x16a: {  	s2 =	simm.s32 $0x0;
	s0 =	simm.s32 $0x10440;
	v6 =	vld [tilespmem:s31+$0xC3A0];
	[tilespmem:s31+$0xC3F0] =	vst v13;
	v9 =	vnsel vm6, $0x0, v17;
	v13 =	vsub.f32 v16, v14;
	v12 =	vmul.f32 v12, v12  }
.LBB2_18:
0x16b: {  	v14 =	vld [tilespmem:s0+$0x30];
	v10 =	vnsel vm5, $0x0, v10;
	v11 =	vmul.f32 v11, v11;
	v3 =	vsub.f32 v5, v3  }
0x16c: {  	v5 =	vld [tilespmem:s0+$0xFFFFFFC0];
	v12 =	vnsel vm4, $0x0, v12;
	v13 =	vmul.f32 v13, v13;
	v2 =	vsub.f32 v4, v2  }
0x16d: {  	v4 =	vld [tilespmem:s0+$0xFFFFFFD0];
	v8 =	vadd.f32 v9, v8;
	v9 =	vnsel vm3, $0x0, v11;
	v3 =	vmul.f32 v3, v3  }
0x16e: {  	v11 =	vld [tilespmem:s0+$0xFFFFFFE0];
	v7 =	vadd.f32 v10, v7;
	v10 =	vnsel vm2, $0x0, v13;
	v2 =	vmul.f32 v2, v2  }
0x16f: {  	v13 =	vld [tilespmem:s0+$0xFFFFFFF0];
	[tilespmem:s31+$0xC380] =	vst v8;
	v6 =	vadd.f32 v12, v6;
	v3 =	vnsel vm0, $0x0, v3  }
0x170: {  	v8 =	vld [tilespmem:s0+$0x0];
	v12 =	vadd.s32 $0xFFFF3C80, v14;
	[tilespmem:s31+$0xC390] =	vst v7;
	v2 =	vnsel vm1, $0x0, v2  }
0x171: {  	v5 =	vadd.s32 $0xFFFF3C80, v5;
	v7 =	vld [tilespmem:s0+$0x10];
	vm7 =	vlt.u32 v12, $0xC320;
	[tilespmem:s31+$0xC3A0] =	vst v6  }
0x172: {  	vm6 =	vlt.u32 v5, $0xC320;
	v4 =	vadd.s32 $0xFFFF3C80, v4;
	v6 =	vld [tilespmem:s0+$0x20]  }
0x173: {  	vm5 =	vlt.u32 v4, $0xC320;
	v11 =	vadd.s32 $0xFFFF3C80, v11;
	v14 =	vld [tilespmem:s31+$0xC3B0]  }
0x174: {  	vm4 =	vlt.u32 v11, $0xC320;
	v13 =	vadd.s32 $0xFFFF3C80, v13;
	v15 =	vld [tilespmem:s31+$0xC3C0]  }
0x175: {  	vm3 =	vlt.u32 v13, $0xC320;
	v8 =	vadd.s32 $0xFFFF3C80, v8;
	v16 =	vld [tilespmem:s31+$0xC3D0]  }
0x176: {  	vm2 =	vlt.u32 v8, $0xC320;
	v7 =	vadd.s32 $0xFFFF3C80, v7;
	v17 =	vld [tilespmem:s31+$0xC3E0]  }
0x177: {  	s1 =	sadd.s32 $0x80, s1;
	vm0 =	vlt.u32 v7, $0xC320;
	v6 =	vadd.s32 $0xFFFF3C80, v6;
	v12 =	vld.idx.msk [tilespmem:v12+s3+$0x0], vm7  }
0x178: {  	s2 =	sadd.s32 $0x8, s2;
	vm1 =	vlt.u32 v6, $0xC320;
	v18 =	vld [tilespmem:s1+$0x30];
	v9 =	vadd.f32 v9, v14  }
0x179: {  	s30 =	sadd.s32 $0x400, s30;
	s16 =	sshll.u32 s2, $0x4;
	p0 =	slt.u32 s2, $0x3F8;
	v5 =	vld.idx.msk [tilespmem:v5+s3+$0x0], vm6;
	v10 =	vadd.f32 v10, v15  }
0x17a: {  	s19 =	sand.u32 $0x1C00, s30;
	s20 =	sshll.u32 s2, $0x1;
	s16 =	sand.u32 $0x2000, s16;
	v4 =	vld.idx.msk [tilespmem:v4+s3+$0x0], vm5;
	[tilespmem:s31+$0xC3B0] =	vst v9;
	v3 =	vadd.f32 v3, v16  }
0x17b: {  	s20 =	sand.u32 $0x380, s20;
	s16 =	sor.u32 s19, s16;
	v9 =	vld.idx.msk [tilespmem:v11+s3+$0x0], vm4;
	[tilespmem:s31+$0xC3C0] =	vst v10;
	v2 =	vadd.f32 v2, v17  }
0x17c: {  	s16 =	sor.u32 s16, s20;
	v11 =	vld.idx.msk [tilespmem:v13+s3+$0x0], vm3;
	[tilespmem:s31+$0xC3D0] =	vst v3  }
0x17d: {  	v10 =	vsub.f32 v18, v12;
	v12 =	vld [tilespmem:s16+$0xC3F0];
	[tilespmem:s31+$0xC3E0] =	vst v2;
	s31 =	smov.u32 s16  }
0x17e: {  	v13 =	vld.idx.msk [tilespmem:v8+s3+$0x0], vm2  }
0x17f: {  	v3 =	vld.idx.msk [tilespmem:v7+s3+$0x0], vm0;
	v7 =	vmul.f32 v10, v10  }
0x180: {  	v2 =	vld.idx.msk [tilespmem:v6+s3+$0x0], vm1  }
0x181: {  	v6 =	vld [tilespmem:s1+$0xFFFFFFC0];
	v7 =	vnsel vm7, $0x0, v7  }
0x182: {  	v8 =	vld [tilespmem:s1+$0xFFFFFFD0];
	v7 =	vadd.f32 v7, v12  }
0x183: {  	v10 =	vld [tilespmem:s1+$0xFFFFFFE0]  }
0x184: {  	v12 =	vld [tilespmem:s1+$0xFFFFFFF0];
	[tilespmem:s31+$0xC3F0] =	vst v7  }
0x185: {  	v14 =	vld [tilespmem:s1+$0x0]  }
.Ltmp8:
0x186: {  	v6 =	vsub.f32 v6, v5;
	v5 =	vld [tilespmem:s1+$0x10];
	(pc) =	sbr.rel @p0 .LBB2_18-.Ltmp8, $4  }
0x187: {  	v7 =	vsub.f32 v8, v4;
	v4 =	vld [tilespmem:s1+$0x20]  }
0x188: {  	v6 =	vmul.f32 v6, v6;
	v8 =	vld [tilespmem:s31+$0xC380];
	v15 =	vsub.f32 v10, v9  }
0x189: {  	v10 =	vmul.f32 v7, v7;
	v7 =	vld [tilespmem:s31+$0xC390];
	v11 =	vsub.f32 v12, v11  }
0x18a: {  	s0 =	sadd.s32 $0x80, s0;
	v9 =	vnsel vm6, $0x0, v6;
	v12 =	vmul.f32 v15, v15;
	v6 =	vld [tilespmem:s31+$0xC3A0];
	v13 =	vsub.f32 v14, v13  }
0x18b: {  	v14 =	vld [tilespmem:s31+$0xC3B0]  }
0x18c: {  	v10 =	vnsel vm5, $0x0, v10;
	v11 =	vmul.f32 v11, v11;
	v15 =	vld [tilespmem:s31+$0xC3C0]  }
0x18d: {  	v3 =	vsub.f32 v5, v3;
	v5 =	vnsel vm4, $0x0, v12;
	v8 =	vadd.f32 v9, v8;
	v9 =	vld [tilespmem:s31+$0xC3D0]  }
0x18e: {  	v12 =	vmul.f32 v13, v13;
	v2 =	vsub.f32 v4, v2;
	v4 =	vadd.f32 v10, v7;
	v7 =	vld [tilespmem:s31+$0xC3E0]  }
0x18f: {  	v3 =	vmul.f32 v3, v3;
	v10 =	vnsel vm3, $0x0, v11;
	[tilespmem:s31+$0xC380] =	vst v8;
	v5 =	vadd.f32 v5, v6  }
0x190: {  	v2 =	vmul.f32 v2, v2;
	v6 =	vnsel vm2, $0x0, v12;
	[tilespmem:s31+$0xC390] =	vst v4;
	v4 =	vadd.f32 v10, v14  }
0x191: {  	v3 =	vnsel vm0, $0x0, v3;
	[tilespmem:s31+$0xC3A0] =	vst v5;
	v5 =	vadd.f32 v6, v15  }
0x192: {  	v2 =	vnsel vm1, $0x0, v2;
	[tilespmem:s31+$0xC3B0] =	vst v4;
	v3 =	vadd.f32 v3, v9  }
0x193: {  	[tilespmem:s31+$0xC3C0] =	vst v5;
	v2 =	vadd.f32 v2, v7  }
0x194: {  	[tilespmem:s31+$0xC3D0] =	vst v3  }
0x195: {  	[tilespmem:s31+$0xC3E0] =	vst v2  }
0x196: {  	_ =	swait.ge [sflag:s26], $0x4000  }
0x197: {  	[sflag:s26] =	ssyncset.done $0x0  }
0x198: {  	s30 =	simm.s32 $0x0;
	[sflag:s26] =	ssyncadd.s32 $0xFFFFC000  }
0x199: {  	[tilespmem:s30], [sflag:$0x4] =	stream.strided.gather [hbm4b:s10+s17], $0xC380, s18, s17, $0x38;
	[tilespmem:$0x1C580] =	vst v63  }
0x19a: {  	_ =	swait.ge [sflag:s24], $0xC380  }
0x19b: {  	[sflag:s24] =	ssyncset.done $0x0  }
0x19c: {  	s0 =	simm.s32 $0x103C0;
	[sflag:s24] =	ssyncadd.s32 $0xFFFF3C80  }
0x19d: {  	v2 =	vld [tilespmem:s0+$0x30]  }
0x19e: {  	v3 =	vld [tilespmem:s0+$0xFFFFFFC0]  }
0x19f: {  	v4 =	vld [tilespmem:s0+$0xFFFFFFD0]  }
0x1a0: {  	v5 =	vld [tilespmem:s0+$0xFFFFFFE0]  }
0x1a1: {  	v6 =	vld [tilespmem:s0+$0xFFFFFFF0]  }
0x1a2: {  	v7 =	vld [tilespmem:s0+$0x0];
	vm7 =	vlt.u32 v2, $0xC380  }
0x1a3: {  	s1 =	simm.s32 $0x183C0;
	s20 =	simm.s32 $0x0;
	v8 =	vld [tilespmem:s0+$0x10];
	vm6 =	vlt.u32 v3, $0xC380  }
0x1a4: {  	s16 =	simm.s32 $0x0;
	s2 =	sand.u32 $0x1C00, s30;
	v9 =	vld [tilespmem:s0+$0x20];
	s0 =	sand.u32 $0x2000, s20;
	vm5 =	vlt.u32 v4, $0xC380  }
0x1a5: {  	s16 =	sand.u32 $0x380, s16;
	v11 =	vld [tilespmem:s1+$0x30];
	s0 =	sor.u32 s2, s0;
	vm4 =	vlt.u32 v5, $0xC380  }
0x1a6: {  	v15 =	vld [tilespmem:s1+$0x0];
	s31 =	sor.u32 s0, s16;
	vm3 =	vlt.u32 v6, $0xC380  }
0x1a7: {  	v12 =	vld [tilespmem:s31+$0xC3F0];
	vm2 =	vlt.u32 v7, $0xC380  }
0x1a8: {  	vm0 =	vlt.u32 v8, $0xC380;
	v10 =	vld.idx.msk [tilespmem:v2+s3+$0x0], vm7  }
0x1a9: {  	vm1 =	vlt.u32 v9, $0xC380;
	v3 =	vld.idx.msk [tilespmem:v3+s3+$0x0], vm6  }
0x1aa: {  	v4 =	vld.idx.msk [tilespmem:v4+s3+$0x0], vm5  }
0x1ab: {  	v5 =	vld.idx.msk [tilespmem:v5+s3+$0x0], vm4  }
0x1ac: {  	v6 =	vld.idx.msk [tilespmem:v6+s3+$0x0], vm3  }
0x1ad: {  	v13 =	vld.idx.msk [tilespmem:v7+s3+$0x0], vm2  }
0x1ae: {  	v14 =	vld.idx.msk [tilespmem:v8+s3+$0x0], vm0  }
0x1af: {  	v2 =	vld.idx.msk [tilespmem:v9+s3+$0x0], vm1  }
0x1b0: {  	v7 =	vld [tilespmem:s1+$0xFFFFFFC0]  }
0x1b1: {  	v8 =	vld [tilespmem:s1+$0xFFFFFFD0]  }
0x1b2: {  	v9 =	vld [tilespmem:s1+$0xFFFFFFE0]  }
0x1b3: {  	v10 =	vsub.f32 v11, v10;
	v11 =	vld [tilespmem:s1+$0xFFFFFFF0]  }
0x1b4: {  	v16 =	vld [tilespmem:s1+$0x10]  }
0x1b5: {  	v7 =	vsub.f32 v7, v3;
	v10 =	vmul.f32 v10, v10  }
0x1b6: {  	v4 =	vsub.f32 v8, v4;
	v3 =	vld [tilespmem:s1+$0x20]  }
0x1b7: {  	v5 =	vsub.f32 v9, v5;
	v8 =	vnsel vm7, $0x0, v10;
	v10 =	vmul.f32 v7, v7;
	v7 =	vld [tilespmem:s31+$0xC380]  }
0x1b8: {  	v17 =	vmul.f32 v4, v4;
	v9 =	vadd.f32 v8, v12;
	v18 =	vsub.f32 v11, v6;
	v6 =	vld [tilespmem:s31+$0xC390]  }
0x1b9: {  	v4 =	vld [tilespmem:s31+$0xC3A0];
	v12 =	vmul.f32 v5, v5;
	v11 =	vsub.f32 v15, v13;
	v13 =	vsub.f32 v16, v14  }
0x1ba: {  	s2 =	simm.s32 $0x10440;
	s0 =	simm.s32 $0x0;
	v5 =	vld [tilespmem:s31+$0xC3B0];
	v8 =	vnsel vm6, $0x0, v10;
	[tilespmem:s31+$0xC3F0] =	vst v9;
	v9 =	vnsel vm5, $0x0, v17;
	v10 =	vmul.f32 v18, v18  }
.LBB2_20:
0x1bb: {  	v14 =	vld [tilespmem:s2+$0x30];
	v12 =	vnsel vm4, $0x0, v12;
	v11 =	vmul.f32 v11, v11;
	v2 =	vsub.f32 v3, v2  }
0x1bc: {  	v3 =	vld [tilespmem:s2+$0xFFFFFFC0];
	v7 =	vadd.f32 v8, v7;
	v8 =	vnsel vm3, $0x0, v10;
	v10 =	vmul.f32 v13, v13  }
0x1bd: {  	v13 =	vld [tilespmem:s2+$0xFFFFFFD0];
	v6 =	vadd.f32 v9, v6;
	v9 =	vnsel vm2, $0x0, v11;
	v2 =	vmul.f32 v2, v2  }
0x1be: {  	v11 =	vld [tilespmem:s2+$0xFFFFFFE0];
	[tilespmem:s31+$0xC380] =	vst v7;
	v4 =	vadd.f32 v12, v4;
	v7 =	vnsel vm0, $0x0, v10  }
0x1bf: {  	v10 =	vld [tilespmem:s2+$0xFFFFFFF0];
	[tilespmem:s31+$0xC390] =	vst v6;
	v5 =	vadd.f32 v8, v5;
	v2 =	vnsel vm1, $0x0, v2  }
0x1c0: {  	v6 =	vld [tilespmem:s2+$0x0];
	vm7 =	vlt.u32 v14, $0xC380;
	[tilespmem:s31+$0xC3A0] =	vst v4  }
0x1c1: {  	vm6 =	vlt.u32 v3, $0xC380;
	v4 =	vld [tilespmem:s2+$0x10];
	[tilespmem:s31+$0xC3B0] =	vst v5  }
0x1c2: {  	vm5 =	vlt.u32 v13, $0xC380;
	v5 =	vld [tilespmem:s2+$0x20]  }
0x1c3: {  	vm4 =	vlt.u32 v11, $0xC380;
	v8 =	vld [tilespmem:s31+$0xC3C0]  }
0x1c4: {  	vm3 =	vlt.u32 v10, $0xC380;
	v12 =	vld [tilespmem:s31+$0xC3D0]  }
0x1c5: {  	vm2 =	vlt.u32 v6, $0xC380;
	v15 =	vld [tilespmem:s31+$0xC3E0]  }
0x1c6: {  	s1 =	sadd.s32 $0x80, s1;
	vm0 =	vlt.u32 v4, $0xC380;
	v14 =	vld.idx.msk [tilespmem:v14+s3+$0x0], vm7  }
0x1c7: {  	s0 =	sadd.s32 $0x8, s0;
	vm1 =	vlt.u32 v5, $0xC380;
	v16 =	vld [tilespmem:s1+$0x30]  }
0x1c8: {  	s30 =	sadd.s32 $0x400, s30;
	s16 =	sshll.u32 s0, $0x4;
	p0 =	slt.u32 s0, $0x3F8;
	v3 =	vld.idx.msk [tilespmem:v3+s3+$0x0], vm6;
	v8 =	vadd.f32 v9, v8  }
0x1c9: {  	s19 =	sand.u32 $0x1C00, s30;
	s20 =	sshll.u32 s0, $0x1;
	s16 =	sand.u32 $0x2000, s16;
	v9 =	vld.idx.msk [tilespmem:v13+s3+$0x0], vm5;
	v7 =	vadd.f32 v7, v12  }
0x1ca: {  	s20 =	sand.u32 $0x380, s20;
	s16 =	sor.u32 s19, s16;
	v11 =	vld.idx.msk [tilespmem:v11+s3+$0x0], vm4;
	[tilespmem:s31+$0xC3C0] =	vst v8;
	v2 =	vadd.f32 v2, v15  }
0x1cb: {  	s16 =	sor.u32 s16, s20;
	v8 =	vld.idx.msk [tilespmem:v10+s3+$0x0], vm3;
	[tilespmem:s31+$0xC3D0] =	vst v7  }
0x1cc: {  	v7 =	vsub.f32 v16, v14;
	v10 =	vld [tilespmem:s16+$0xC3F0];
	[tilespmem:s31+$0xC3E0] =	vst v2;
	s31 =	smov.u32 s16  }
0x1cd: {  	v13 =	vld.idx.msk [tilespmem:v6+s3+$0x0], vm2  }
0x1ce: {  	v14 =	vld.idx.msk [tilespmem:v4+s3+$0x0], vm0;
	v4 =	vmul.f32 v7, v7  }
0x1cf: {  	v2 =	vld.idx.msk [tilespmem:v5+s3+$0x0], vm1  }
0x1d0: {  	v5 =	vld [tilespmem:s1+$0xFFFFFFC0];
	v4 =	vnsel vm7, $0x0, v4  }
0x1d1: {  	v6 =	vld [tilespmem:s1+$0xFFFFFFD0];
	v4 =	vadd.f32 v4, v10  }
0x1d2: {  	v10 =	vld [tilespmem:s1+$0xFFFFFFE0]  }
0x1d3: {  	v12 =	vld [tilespmem:s1+$0xFFFFFFF0];
	[tilespmem:s31+$0xC3F0] =	vst v4  }
0x1d4: {  	v15 =	vld [tilespmem:s1+$0x0]  }
0x1d5: {  	v4 =	vsub.f32 v5, v3;
	v16 =	vld [tilespmem:s1+$0x10]  }
.Ltmp9:
0x1d6: {  	v5 =	vsub.f32 v6, v9;
	v3 =	vld [tilespmem:s1+$0x20];
	(pc) =	sbr.rel @p0 .LBB2_20-.Ltmp9, $4  }
0x1d7: {  	v4 =	vmul.f32 v4, v4;
	v7 =	vld [tilespmem:s31+$0xC380];
	v9 =	vsub.f32 v10, v11  }
0x1d8: {  	v5 =	vmul.f32 v5, v5;
	v6 =	vld [tilespmem:s31+$0xC390];
	v10 =	vsub.f32 v12, v8  }
0x1d9: {  	v8 =	vnsel vm6, $0x0, v4;
	v12 =	vmul.f32 v9, v9;
	v4 =	vld [tilespmem:s31+$0xC3A0];
	v11 =	vsub.f32 v15, v13  }
0x1da: {  	s2 =	sadd.s32 $0x80, s2;
	v9 =	vnsel vm5, $0x0, v5;
	v10 =	vmul.f32 v10, v10;
	v5 =	vld [tilespmem:s31+$0xC3B0];
	v13 =	vsub.f32 v16, v14  }
0x1db: {  	v14 =	vld [tilespmem:s31+$0xC3C0]  }
0x1dc: {  	v12 =	vnsel vm4, $0x0, v12;
	v7 =	vadd.f32 v8, v7;
	v8 =	vld [tilespmem:s31+$0xC3D0]  }
0x1dd: {  	v11 =	vmul.f32 v11, v11;
	v2 =	vsub.f32 v3, v2;
	v3 =	vadd.f32 v9, v6;
	v6 =	vld [tilespmem:s31+$0xC3E0]  }
0x1de: {  	v9 =	vnsel vm3, $0x0, v10;
	v10 =	vmul.f32 v13, v13;
	[tilespmem:s31+$0xC380] =	vst v7;
	v4 =	vadd.f32 v12, v4  }
0x1df: {  	v2 =	vmul.f32 v2, v2;
	v7 =	vnsel vm2, $0x0, v11;
	[tilespmem:s31+$0xC390] =	vst v3;
	v3 =	vadd.f32 v9, v5  }
0x1e0: {  	v5 =	vnsel vm0, $0x0, v10;
	[tilespmem:s31+$0xC3A0] =	vst v4;
	v4 =	vadd.f32 v7, v14  }
0x1e1: {  	v2 =	vnsel vm1, $0x0, v2;
	[tilespmem:s31+$0xC3B0] =	vst v3;
	v3 =	vadd.f32 v5, v8  }
0x1e2: {  	[tilespmem:s31+$0xC3C0] =	vst v4;
	v2 =	vadd.f32 v2, v6  }
0x1e3: {  	[tilespmem:s31+$0xC3D0] =	vst v3  }
0x1e4: {  	s30 =	simm.s32 $0x0;
	[tilespmem:s31+$0xC3E0] =	vst v2  }
0x1e5: {  	[tilespmem:s30], [sflag:$0x4] =	stream.strided.gather [hbm4b:s11+s17], $0xC300, s18, s17, $0x38;
	[tilespmem:$0x1C580] =	vst v63  }
0x1e6: {  	_ =	swait.ge [sflag:s24], $0xC300  }
0x1e7: {  	[sflag:s24] =	ssyncset.done $0x0  }
0x1e8: {  	[sflag:s24] =	ssyncadd.s32 $0xFFFF3D00  }
0x1e9: {  	[tilespmem:s25], [sflag:$0x4] =	stream.linear.gather [hbm4b:s12+s30], $0x80, $0x38;
	[tilespmem:$0x1C580] =	vst v63  }
0x1ea: {  	_ =	swait.ge [sflag:s24], $0x80  }
0x1eb: {  	[sflag:s24] =	ssyncset.done $0x0  }
0x1ec: {  	s0 =	simm.s32 $0x103C0;
	[sflag:s24] =	ssyncadd.s32 $0xFFFFFF80  }
0x1ed: {  	v2 =	vld [tilespmem:s0+$0x30];
	_ =	sdelay $0x1  }
0x1ee: {  	v3 =	vld [tilespmem:s0+$0xFFFFFFC0]  }
0x1ef: {  	v4 =	vld [tilespmem:s0+$0xFFFFFFD0]  }
0x1f0: {  	v5 =	vld [tilespmem:s0+$0xFFFFFFE0]  }
0x1f1: {  	v6 =	vld [tilespmem:s0+$0xFFFFFFF0];
	v2 =	vadd.s32 $0xFFFF3C80, v2  }
0x1f2: {  	v7 =	vld [tilespmem:s0+$0x0];
	vm7 =	vlt.u32 v2, $0xC320  }
0x1f3: {  	s20 =	simm.s32 $0x0;
	v8 =	vld [tilespmem:s0+$0x10];
	v3 =	vadd.s32 $0xFFFF3C80, v3  }
0x1f4: {  	s16 =	simm.s32 $0x0;
	s2 =	sand.u32 $0x1C00, s30;
	v9 =	vld [tilespmem:s0+$0x20];
	s0 =	sand.u32 $0x2000, s20;
	v4 =	vadd.s32 $0xFFFF3C80, v4;
	vm6 =	vlt.u32 v3, $0xC320  }
0x1f5: {  	s16 =	sand.u32 $0x380, s16;
	s0 =	sor.u32 s2, s0;
	v5 =	vadd.s32 $0xFFFF3C80, v5;
	vm5 =	vlt.u32 v4, $0xC320  }
0x1f6: {  	s31 =	sor.u32 s0, s16;
	v6 =	vadd.s32 $0xFFFF3C80, v6;
	vm4 =	vlt.u32 v5, $0xC320  }
0x1f7: {  	v13 =	vld [tilespmem:s31+$0xC3F0];
	v7 =	vadd.s32 $0xFFFF3C80, v7;
	vm3 =	vlt.u32 v6, $0xC320  }
0x1f8: {  	s1 =	simm.s32 $0x183C0;
	vm2 =	vlt.u32 v7, $0xC320;
	v10 =	vld.idx.msk [tilespmem:v2+s3+$0x0], vm7  }
0x1f9: {  	v2 =	vadd.s32 $0xFFFF3C80, v8;
	v8 =	vld [tilespmem:s1+$0x30]  }
0x1fa: {  	v11 =	vld.idx.msk [tilespmem:v3+s3+$0x0], vm6  }
0x1fb: {  	v9 =	vadd.s32 $0xFFFF3C80, v9;
	v4 =	vld.idx.msk [tilespmem:v4+s3+$0x0], vm5;
	vm0 =	vlt.u32 v2, $0xC320  }
0x1fc: {  	vm1 =	vlt.u32 v9, $0xC320;
	v5 =	vld.idx.msk [tilespmem:v5+s3+$0x0], vm4  }
0x1fd: {  	v12 =	vld.idx.msk [tilespmem:v6+s3+$0x0], vm3  }
0x1fe: {  	v14 =	vld.idx.msk [tilespmem:v7+s3+$0x0], vm2  }
0x1ff: {  	v6 =	vld [tilespmem:s1+$0xFFFFFFC0]  }
0x200: {  	v7 =	vld [tilespmem:s1+$0xFFFFFFD0]  }
0x201: {  	v3 =	vld.idx.msk [tilespmem:v2+s3+$0x0], vm0  }
0x202: {  	v2 =	vld.idx.msk [tilespmem:v9+s3+$0x0], vm1  }
0x203: {  	v8 =	vsub.f32 v8, v10;
	v9 =	vld [tilespmem:s1+$0xFFFFFFE0]  }
0x204: {  	v15 =	vld [tilespmem:s1+$0xFFFFFFF0]  }
0x205: {  	v16 =	vld [tilespmem:s1+$0x0];
	v8 =	vmul.f32 v8, v8  }
0x206: {  	v10 =	vsub.f32 v6, v11;
	v6 =	vld [tilespmem:s1+$0x10]  }
0x207: {  	v4 =	vsub.f32 v7, v4;
	v7 =	vld [tilespmem:s1+$0x20];
	v8 =	vnsel vm7, $0x0, v8  }
0x208: {  	v17 =	vmul.f32 v10, v10;
	v13 =	vadd.f32 v8, v13;
	v8 =	vld [tilespmem:s31+$0xC380];
	v18 =	vsub.f32 v9, v5  }
0x209: {  	v11 =	vsub.f32 v15, v12;
	v10 =	vmul.f32 v4, v4;
	v5 =	vld [tilespmem:s31+$0xC390]  }
0x20a: {  	s2 =	simm.s32 $0x0;
	s0 =	simm.s32 $0x10440;
	v4 =	vld [tilespmem:s31+$0xC3A0];
	[tilespmem:s31+$0xC3F0] =	vst v13;
	v9 =	vnsel vm6, $0x0, v17;
	v13 =	vsub.f32 v16, v14;
	v12 =	vmul.f32 v18, v18  }
.LBB2_22:
0x20b: {  	v14 =	vld [tilespmem:s0+$0x30];
	v10 =	vnsel vm5, $0x0, v10;
	v11 =	vmul.f32 v11, v11;
	v3 =	vsub.f32 v6, v3  }
0x20c: {  	v6 =	vld [tilespmem:s0+$0xFFFFFFC0];
	v12 =	vnsel vm4, $0x0, v12;
	v13 =	vmul.f32 v13, v13;
	v2 =	vsub.f32 v7, v2  }
0x20d: {  	v7 =	vld [tilespmem:s0+$0xFFFFFFD0];
	v8 =	vadd.f32 v9, v8;
	v9 =	vnsel vm3, $0x0, v11;
	v3 =	vmul.f32 v3, v3  }
0x20e: {  	v11 =	vld [tilespmem:s0+$0xFFFFFFE0];
	v5 =	vadd.f32 v10, v5;
	v10 =	vnsel vm2, $0x0, v13;
	v2 =	vmul.f32 v2, v2  }
0x20f: {  	v13 =	vld [tilespmem:s0+$0xFFFFFFF0];
	[tilespmem:s31+$0xC380] =	vst v8;
	v4 =	vadd.f32 v12, v4;
	v3 =	vnsel vm0, $0x0, v3  }
0x210: {  	v8 =	vld [tilespmem:s0+$0x0];
	v12 =	vadd.s32 $0xFFFF3C80, v14;
	[tilespmem:s31+$0xC390] =	vst v5;
	v2 =	vnsel vm1, $0x0, v2  }
0x211: {  	v5 =	vadd.s32 $0xFFFF3C80, v6;
	v6 =	vld [tilespmem:s0+$0x10];
	vm7 =	vlt.u32 v12, $0xC320;
	[tilespmem:s31+$0xC3A0] =	vst v4  }
0x212: {  	vm6 =	vlt.u32 v5, $0xC320;
	v4 =	vadd.s32 $0xFFFF3C80, v7;
	v7 =	vld [tilespmem:s0+$0x20]  }
0x213: {  	vm5 =	vlt.u32 v4, $0xC320;
	v11 =	vadd.s32 $0xFFFF3C80, v11;
	v14 =	vld [tilespmem:s31+$0xC3B0]  }
0x214: {  	vm4 =	vlt.u32 v11, $0xC320;
	v13 =	vadd.s32 $0xFFFF3C80, v13;
	v15 =	vld [tilespmem:s31+$0xC3C0]  }
0x215: {  	vm3 =	vlt.u32 v13, $0xC320;
	v8 =	vadd.s32 $0xFFFF3C80, v8;
	v16 =	vld [tilespmem:s31+$0xC3D0]  }
0x216: {  	vm2 =	vlt.u32 v8, $0xC320;
	v6 =	vadd.s32 $0xFFFF3C80, v6;
	v17 =	vld [tilespmem:s31+$0xC3E0]  }
0x217: {  	s1 =	sadd.s32 $0x80, s1;
	vm0 =	vlt.u32 v6, $0xC320;
	v7 =	vadd.s32 $0xFFFF3C80, v7;
	v12 =	vld.idx.msk [tilespmem:v12+s3+$0x0], vm7  }
0x218: {  	s2 =	sadd.s32 $0x8, s2;
	vm1 =	vlt.u32 v7, $0xC320;
	v18 =	vld [tilespmem:s1+$0x30];
	v9 =	vadd.f32 v9, v14  }
0x219: {  	s30 =	sadd.s32 $0x400, s30;
	s16 =	sshll.u32 s2, $0x4;
	p0 =	slt.u32 s2, $0x3F8;
	v5 =	vld.idx.msk [tilespmem:v5+s3+$0x0], vm6;
	v10 =	vadd.f32 v10, v15  }
0x21a: {  	s19 =	sand.u32 $0x1C00, s30;
	s20 =	sshll.u32 s2, $0x1;
	s16 =	sand.u32 $0x2000, s16;
	v4 =	vld.idx.msk [tilespmem:v4+s3+$0x0], vm5;
	[tilespmem:s31+$0xC3B0] =	vst v9;
	v3 =	vadd.f32 v3, v16  }
0x21b: {  	s20 =	sand.u32 $0x380, s20;
	s16 =	sor.u32 s19, s16;
	v9 =	vld.idx.msk [tilespmem:v11+s3+$0x0], vm4;
	[tilespmem:s31+$0xC3C0] =	vst v10;
	v2 =	vadd.f32 v2, v17  }
0x21c: {  	s16 =	sor.u32 s16, s20;
	v11 =	vld.idx.msk [tilespmem:v13+s3+$0x0], vm3;
	[tilespmem:s31+$0xC3D0] =	vst v3  }
0x21d: {  	v10 =	vsub.f32 v18, v12;
	v12 =	vld [tilespmem:s16+$0xC3F0];
	[tilespmem:s31+$0xC3E0] =	vst v2;
	s31 =	smov.u32 s16  }
0x21e: {  	v13 =	vld.idx.msk [tilespmem:v8+s3+$0x0], vm2  }
0x21f: {  	v3 =	vld.idx.msk [tilespmem:v6+s3+$0x0], vm0;
	v6 =	vmul.f32 v10, v10  }
0x220: {  	v2 =	vld.idx.msk [tilespmem:v7+s3+$0x0], vm1  }
0x221: {  	v7 =	vld [tilespmem:s1+$0xFFFFFFC0];
	v6 =	vnsel vm7, $0x0, v6  }
0x222: {  	v8 =	vld [tilespmem:s1+$0xFFFFFFD0];
	v6 =	vadd.f32 v6, v12  }
0x223: {  	v10 =	vld [tilespmem:s1+$0xFFFFFFE0]  }
0x224: {  	v12 =	vld [tilespmem:s1+$0xFFFFFFF0];
	[tilespmem:s31+$0xC3F0] =	vst v6  }
0x225: {  	v14 =	vld [tilespmem:s1+$0x0]  }
.Ltmp10:
0x226: {  	v5 =	vsub.f32 v7, v5;
	v6 =	vld [tilespmem:s1+$0x10];
	(pc) =	sbr.rel @p0 .LBB2_22-.Ltmp10, $4  }
0x227: {  	v4 =	vsub.f32 v8, v4;
	v7 =	vld [tilespmem:s1+$0x20]  }
0x228: {  	v15 =	vmul.f32 v5, v5;
	v8 =	vld [tilespmem:s31+$0xC380];
	v16 =	vsub.f32 v10, v9  }
0x229: {  	v10 =	vmul.f32 v4, v4;
	v5 =	vld [tilespmem:s31+$0xC390];
	v11 =	vsub.f32 v12, v11  }
0x22a: {  	s0 =	sadd.s32 $0x80, s0;
	v9 =	vnsel vm6, $0x0, v15;
	v12 =	vmul.f32 v16, v16;
	v4 =	vld [tilespmem:s31+$0xC3A0];
	v13 =	vsub.f32 v14, v13  }
0x22b: {  	v14 =	vld [tilespmem:s31+$0xC3B0]  }
0x22c: {  	v3 =	vsub.f32 v6, v3;
	v54 =	vld [tilespmem:s31+$0xC3C0];
	v55 =	vnsel vm5, $0x0, v10  }
0x22d: {  	v56 =	vmul.f32 v11, v11;
	v57 =	vld [tilespmem:s31+$0xC3D0];
	v2 =	vsub.f32 v7, v2;
	v8 =	vadd.f32 v9, v8  }
0x22e: {  	v60 =	vld [tilespmem:s31+$0xC3E0];
	v58 =	vnsel vm4, $0x0, v12;
	v59 =	vmul.f32 v13, v13;
	v5 =	vadd.f32 v55, v5  }
0x22f: {  	v10 =	vnsel vm3, $0x0, v56;
	v3 =	vmul.f32 v3, v3;
	[tilespmem:s31+$0xC380] =	vst v8;
	v4 =	vadd.f32 v58, v4  }
0x230: {  	v61 =	vnsel vm2, $0x0, v59;
	v2 =	vmul.f32 v2, v2;
	[tilespmem:s31+$0xC390] =	vst v5;
	v62 =	vadd.f32 v10, v14  }
0x231: {  	v3 =	vnsel vm0, $0x0, v3;
	v63 =	vadd.f32 v61, v54;
	[tilespmem:s31+$0xC3A0] =	vst v4  }
0x232: {  	v2 =	vnsel vm1, $0x0, v2;
	v3 =	vadd.f32 v3, v57;
	[tilespmem:s31+$0xC3B0] =	vst v62  }
0x233: {  	v2 =	vadd.f32 v2, v60;
	[tilespmem:s31+$0xC3C0] =	vst v63  }
0x234: {  	[tilespmem:s31+$0xC3D0] =	vst v3  }
0x235: {  	[tilespmem:s31+$0xC3E0] =	vst v2  }
0x236: {  	s29 =	sadd.s32 $0x1, s29;
	_ =	swait.ge [sflag:s21], $0x200  }
0x237: {  	p0 =	sne.s32 s29, s14;
	[sflag:s21] =	ssyncset.done $0x0  }
.Ltmp11:
0x238: {  	[sflag:s21] =	ssyncadd.s32 $0xFFFFFE00;
	(pc) =	sbr.rel @p0 .LBB2_1-.Ltmp11, $4  }
0x239: {  	[hbm4b:s13+s3] =	stream.linear.scatter [tilespmem:s28], [sflag:$0x4], $0x4000, $0x38;
	[tilespmem:$0x1C580] =	vst v63  }
0x23a: {  	_ =	swait.ge [sflag:s24], $0x4000  }
0x23b: {  	[sflag:s24] =	ssyncset.done $0x0  }
0x23c: {  	[sflag:s24] =	ssyncadd.s32 $0xFFFFC000  }
0x23d: {  	_ =	sfence.sel $0x180000  }
0x23e: {  	[bflag:$0x0] =	sbarrier.arrive $0xFFFF  }
0x23f: {  	_ =	strace $0x90000047  }
0x240: {  	s0 =	stileid.u32;
	[bflag:$0x2] =	sbarrier.arrive $0xFFFF  }
0x241: {  	p0 =	sne.s32 s0, $0x0;
	s0 =	rddreg [dreg:$0x6]  }
0x242: {  	s0 =	sadd.s32 @!p0 $0x100000, s0  }
0x243: {  	[sflag:s0] =	ssyncadd.tile.s32 @!p0 $0x1;
	_ =	shalt  }
.Lfunc_end2:
_tile_overlayer_lowered:
.L_overlay_start_2:
0x244: {  	(tag) =	ssettag $0x2  }
0x245: {  	s0 =	rddreg [dreg:$0x0];
	s2 =	stileid.u32  }
0x246: {  	s1 =	rddreg [dreg:$0x1];
	p0 =	sne.s32 s2, $0x0  }
0x247: {  	s3 =	rddreg [dreg:$0x2];
	[bflag:$0x3] =	sbarrier.arrive $0xFFFF;
	s2 =	simm.s32 @!p0 $0x1C04  }
0x248: {  	[timem:s3], [sflag:s2] =	dma.local @!p0 [hbm:s0], s1  }
0x249: {  	s0 =	simm.s32 @!p0 $0x4  }
0x24a: {  	_ =	swait.ge @!p0 [sflag:s0], s1  }
0x24b: {  	s1 =	ssub.s32 @!p0 $0x0, s1;
	[sflag:s0] =	ssyncset.done @!p0 $0x0  }
0x24c: {  	[sflag:s0] =	ssyncadd.s32 @!p0 s1  }
0x24d: {  	[bflag:$0x3] =	sbarrier.arrive $0xFFFF  }
0x24e: {  	_ =	shalt  }

</sc_bundles>
